<compile_context>
chip_gen: v7x
topology: tpu7x:2x2x1
jax: 0.10.2.dev20260603
libtpu: 0.0.44.dev20260713+nightly
codegen_flags: <defaults>
</compile_context>

<pallas_src>
import functools

import jax
import jax.numpy as jnp
from jax import lax
from jax.experimental import pallas as pl
from jax.experimental.pallas import tpu as pltpu
from jax.experimental.pallas import tpu_sc as plsc

B, C_IN, T = 64, 128, 512
D = 256
K = 8192
COMMIT = 0.25

KC = 2048
NKC = K // KC
N = B * T


DA = D + 8


def _vq_body(x_ref, wenc_ref, benc_ref, cb_ref, idx_ref, md_ref, c2_ref):
    b = pl.program_id(0)

    @pl.when(b == 0)
    def _compute_c2():
        for kc in range(NKC):
            cb = cb_ref[pl.ds(kc * KC, KC), :]
            c2_ref[pl.ds(kc * KC, KC), :] = jnp.sum(cb * cb, axis=1,
                                                    keepdims=True)

    x = x_ref[0]
    zT = (lax.dot(wenc_ref[...], x, preferred_element_type=jnp.float32)
          + benc_ref[...])
    z2 = jnp.sum(zT * zT, axis=0, keepdims=True)
    zTm2 = -2.0 * zT

    minv = mini = None
    for kc in range(NKC):
        cb = cb_ref[pl.ds(kc * KC, KC), :]
        mm = lax.dot(cb, zTm2, preferred_element_type=jnp.float32)
        s = mm + c2_ref[pl.ds(kc * KC, KC), :]
        m = jnp.min(s, axis=0, keepdims=True)
        am = jnp.argmin(s, axis=0).astype(jnp.int32)[None, :] + kc * KC
        if minv is None:
            minv, mini = m, am
        else:
            upd = m < minv
            minv, mini = jnp.where(upd, m, minv), jnp.where(upd, am, mini)
    idx_ref[0] = mini
    md_ref[0] = minv + z2


def _vq_call(inp, W_enc, b_enc2, codebook, off, nb):
    return pl.pallas_call(
        _vq_body,
        grid=(nb,),
        in_specs=[
            pl.BlockSpec((1, C_IN, T), lambda b: (b + off, 0, 0)),
            pl.BlockSpec((D, C_IN), lambda b: (0, 0)),
            pl.BlockSpec((D, 1), lambda b: (0, 0)),
            pl.BlockSpec((K, D), lambda b: (0, 0)),
        ],
        out_specs=[
            pl.BlockSpec((1, 1, T), lambda b: (b, 0, 0)),
            pl.BlockSpec((1, 1, T), lambda b: (b, 0, 0)),
        ],
        out_shape=[
            jax.ShapeDtypeStruct((nb, 1, T), jnp.int32),
            jax.ShapeDtypeStruct((nb, 1, T), jnp.float32),
        ],
        scratch_shapes=[pltpu.VMEM((K, 1), jnp.float32)],
    )(inp, W_enc, b_enc2, codebook)


def _dec_body(cb_ref, wdec_ref, bdec_ref, out_ref):
    out_ref[...] = (lax.dot_general(
        cb_ref[...], wdec_ref[...], (((1,), (1,)), ((), ())),
        preferred_element_type=jnp.float32) + bdec_ref[...])


def _dec_call(codebook, W_dec, b_dec2):
    return pl.pallas_call(
        _dec_body,
        grid=(NKC,),
        in_specs=[
            pl.BlockSpec((KC, D), lambda i: (i, 0)),
            pl.BlockSpec((C_IN, D), lambda i: (0, 0)),
            pl.BlockSpec((1, C_IN), lambda i: (0, 0)),
        ],
        out_specs=pl.BlockSpec((KC, C_IN), lambda i: (i, 0)),
        out_shape=jax.ShapeDtypeStruct((K, C_IN), jnp.float32),
    )(codebook, W_dec, b_dec2)


_NW = 32
_CH = 256


def _gather_call(table, idx_flat):
    n = idx_flat.shape[0]
    bpw = n // _NW
    nch = bpw // _CH
    mesh = plsc.VectorSubcoreMesh(core_axis_name="c", subcore_axis_name="s")

    @functools.partial(
        pl.kernel, mesh=mesh,
        out_type=jax.ShapeDtypeStruct((n, C_IN), jnp.float32),
        scratch_types=[
            pltpu.VMEM((bpw,), jnp.int32),
            pltpu.VMEM((_CH, C_IN), jnp.float32),
            pltpu.VMEM((_CH, C_IN), jnp.float32),
            pltpu.SemaphoreType.DMA,
            pltpu.SemaphoreType.DMA,
        ],
    )
    def k(table_hbm, idx_hbm, out_hbm, idx_v, rows0, rows1, sem_g, sem_s):
        wid = lax.axis_index("s") * 2 + lax.axis_index("c")
        base = wid * bpw
        rows = [rows0, rows1]
        pltpu.sync_copy(idx_hbm.at[pl.ds(base, bpw)], idx_v)
        pltpu.async_copy(table_hbm.at[idx_v.at[pl.ds(0, _CH)]], rows[0], sem_g)
        for c in range(nch):
            pltpu.make_async_copy(table_hbm.at[idx_v.at[pl.ds(c * _CH, _CH)]],
                                  rows[c % 2], sem_g).wait()
            if c + 1 < nch:
                if c >= 1:
                    pltpu.make_async_copy(rows[(c + 1) % 2],
                                          out_hbm.at[pl.ds(base + (c - 1) * _CH, _CH)],
                                          sem_s).wait()
                pltpu.async_copy(
                    table_hbm.at[idx_v.at[pl.ds((c + 1) * _CH, _CH)]],
                    rows[(c + 1) % 2], sem_g)
            pltpu.async_copy(rows[c % 2],
                             out_hbm.at[pl.ds(base + c * _CH, _CH)], sem_s)
        pltpu.make_async_copy(rows[(nch - 2) % 2],
                              out_hbm.at[pl.ds(base + (nch - 2) * _CH, _CH)],
                              sem_s).wait()
        pltpu.make_async_copy(rows[(nch - 1) % 2],
                              out_hbm.at[pl.ds(base + (nch - 1) * _CH, _CH)],
                              sem_s).wait()

    return k(table, idx_flat)


def _norm_body(yf_ref, out_ref):
    y = yf_ref[0]
    mn = jnp.min(y, axis=0, keepdims=True)
    ysh = y - mn
    mx = jnp.max(ysh, axis=0, keepdims=True)
    out_ref[0] = jnp.transpose(ysh / (mx + 1e-08), (1, 0))


def _norm_call(y_flat3):
    nb = y_flat3.shape[0]
    return pl.pallas_call(
        _norm_body,
        grid=(nb,),
        in_specs=[pl.BlockSpec((1, T, C_IN), lambda b: (b, 0, 0))],
        out_specs=pl.BlockSpec((1, C_IN, T), lambda b: (b, 0, 0)),
        out_shape=jax.ShapeDtypeStruct((nb, C_IN, T), jnp.float32),
    )(y_flat3)


NSPLIT = 2


def kernel(input, W_enc, b_enc, codebook, W_dec, b_dec):
    cdec = _dec_call(codebook, W_dec, b_dec.reshape(1, C_IN))
    hb = B // NSPLIT
    idxs, mds = [], []
    for h in range(NSPLIT):
        idx3, md = _vq_call(input, W_enc, b_enc.reshape(D, 1), codebook,
                            h * hb, hb)
        idxs.append(idx3)
        mds.append(md)
    ys = []
    for h in range(NSPLIT):
        y_flat = _gather_call(cdec, idxs[h].reshape(hb * T))
        ys.append(_norm_call(y_flat.reshape(hb, T, C_IN)))
    y = jnp.concatenate(ys, axis=0)
    vq_loss = (COMMIT / (N * D)) * sum(jnp.sum(md) for md in mds)
    return (y, vq_loss)

# --- scband reference (transcript-rebuilt; emitter-appended) ---
"""Pipeline reference for scband-tk-orderbook-autoencoder-86182813762430 (READ-ONLY COPY).

The authoritative reference and input builder live on the scoring server;
editing this copy changes nothing except your own understanding.
"""

import jax, jax.numpy as jnp
import numpy as np

B, C_IN, T = 64, 128, 512
D = 256          # embedding_dim
K = 8192         # num_embeddings
COMMIT = 0.25


def setup_inputs(seed: int = 0) -> dict:
    key = jax.random.key(seed)
    k1, k2, k3, k4, k5, k6 = jax.random.split(key, 6)
    inp = jax.random.normal(k1, (B, C_IN, T), dtype=jnp.float32)
    # encoder: 1x1 conv over channels (stand-in for unspecified TkModel encoder)
    W_enc = jax.random.normal(k2, (D, C_IN), dtype=jnp.float32) * (1.0 / np.sqrt(C_IN))
    b_enc = jnp.zeros((D,), dtype=jnp.float32)
    # VQ codebook (torch: Embedding weight ~ normal_())
    codebook = jax.random.normal(k3, (K, D), dtype=jnp.float32)
    # decoder: 1x1 conv back to input channels (stand-in for TkModel decoder)
    W_dec = jax.random.normal(k4, (C_IN, D), dtype=jnp.float32) * (0.025 / np.sqrt(D))
    b_dec = jnp.zeros((C_IN,), dtype=jnp.float32)
    return {"input": inp, "W_enc": W_enc, "b_enc": b_enc, "codebook": codebook,
            "W_dec": W_dec, "b_dec": b_dec}


def reference(input, W_enc, b_enc, codebook, W_dec, b_dec):
    # encoder -> z: [B, D, T]
    z = jnp.einsum('bct,dc->bdt', input, W_enc) + b_enc[None, :, None]
    # VectorQuantizerEMA.quantize (eval mode: no EMA buffer updates)
    z_p = jnp.transpose(z, (0, 2, 1))            # [B, T, D]
    flat_z = z_p.reshape(-1, D)                  # [B*T, D]
    distances = (jnp.sum(flat_z ** 2, axis=1, keepdims=True)
                 - 2.0 * flat_z @ codebook.T
                 + jnp.sum(codebook ** 2, axis=1))
    encoding_indices = jnp.argmin(distances, axis=1)
    quantized = jnp.take(codebook, encoding_indices, axis=0).reshape(z_p.shape)
    vq_loss = COMMIT * jnp.mean((jax.lax.stop_gradient(quantized) - z_p) ** 2)
    quantized = z_p + jax.lax.stop_gradient(quantized - z_p)  # straight-through
    z_q = jnp.transpose(quantized, (0, 2, 1))    # [B, D, T]
    # decoder
    y = jnp.einsum('bdt,cd->bct', z_q, W_dec) + b_dec[None, :, None]
    # per-row min/max normalization over time dim
    y = y - jnp.min(y, axis=2, keepdims=True)
    y = y / (jnp.max(y, axis=2, keepdims=True) + 1e-08)
    return (y, vq_loss)

if __name__ == "__main__":
    import jax
    _d = setup_inputs()
    print(jax.jit(kernel)(*tuple(_d.values())))

</pallas_src>

<mosaic_0001>
#map = affine_map<(d0, d1) -> (0, 0)>
#map1 = affine_map<(d0, d1) -> (0)>
module attributes {stable_mosaic.version = 14 : i64} {
  func.func @k(%arg0: i32, %arg1: i32, %arg2: memref<8192x128xf32, #tpu.memory_space<hbm>>, %arg3: memref<16384xi32, #tpu.memory_space<hbm>>, %arg4: memref<16384x128xf32, #tpu.memory_space<hbm>>, %arg5: memref<512xi32, #tpu.memory_space<vmem>>, %arg6: memref<256x128xf32, #tpu.memory_space<vmem>>, %arg7: memref<256x128xf32, #tpu.memory_space<vmem>>, %arg8: memref<!tpu.dma_semaphore, #tpu.memory_space<semaphore_mem>>, %arg9: memref<!tpu.dma_semaphore, #tpu.memory_space<semaphore_mem>>) attributes {dimension_semantics = [#tpu.dimension_semantics<core_parallel>, #tpu.dimension_semantics<subcore_parallel>], iteration_bounds = array<i64: 2, 16>, scalar_prefetch = 0 : i64, scratch_operands = 5 : i64, tpu.core_type = #tpu.core_type<sc_vector_subcore>, window_params = [{transform_indices = #map}, {transform_indices = #map1}, {transform_indices = #map}]} {
    %mul3A = arith.constant 2 : i32
    %mul3A_0 = arith.muli %arg1, %mul3A : i32
    %add3A = arith.addi %mul3A_0, %arg0 : i32
    %mul3A_1 = arith.constant 512 : i32
    %mul3A_2 = arith.muli %add3A, %mul3A_1 : i32
    "tpu.region"() ({
      %run_scoped3A = tpu.sem_alloc : memref<!tpu.dma_semaphore, #tpu.memory_space<semaphore_mem>>
      %dma_start3A_45 = tpu.memref_slice %arg3[%mul3A_2] : memref<16384xi32, #tpu.memory_space<hbm>> -> memref<512xi32, #tpu.memory_space<hbm>>
      %dma_start3A_46 = tpu.memref_slice %arg3[%mul3A_2] : memref<16384xi32, #tpu.memory_space<hbm>> -> memref<512xi32, #tpu.memory_space<hbm>>
      tpu.enqueue_dma source(%dma_start3A_46 : memref<512xi32, #tpu.memory_space<hbm>>) target(%arg5 : memref<512xi32, #tpu.memory_space<vmem>>) target_semaphore(%run_scoped3A : memref<!tpu.dma_semaphore, #tpu.memory_space<semaphore_mem>>)
      %dma_wait3A_47 = tpu.memref_slice %arg3[%mul3A_2] : memref<16384xi32, #tpu.memory_space<hbm>> -> memref<512xi32, #tpu.memory_space<hbm>>
      %dma_wait3A_48 = tpu.memref_slice %arg3[%mul3A_2] : memref<16384xi32, #tpu.memory_space<hbm>> -> memref<512xi32, #tpu.memory_space<hbm>>
      tpu.wait_dma2 semaphore(%run_scoped3A : memref<!tpu.dma_semaphore, #tpu.memory_space<semaphore_mem>>) src(%dma_wait3A_48 : memref<512xi32, #tpu.memory_space<hbm>>) dst(%arg5 : memref<512xi32, #tpu.memory_space<vmem>>)
      tpu.yield
    }) : () -> ()
    %dma_start3A = arith.constant 0 : i32
    %dma_start3A_3 = tpu.memref_slice %arg5[%dma_start3A] : memref<512xi32, #tpu.memory_space<vmem>> -> memref<256xi32, #tpu.memory_space<vmem>>
    %dma_start3A_4 = arith.constant 0 : i32
    %dma_start3A_5 = arith.constant 0 : i32
    %dma_start3A_6 = tpu.memref_slice %arg2[%dma_start3A_4, %dma_start3A_5] : memref<8192x128xf32, #tpu.memory_space<hbm>> -> memref<8192x128xf32, #tpu.memory_space<hbm>>
    tpu.enqueue_indirect_dma source(%dma_start3A_6 : memref<8192x128xf32, #tpu.memory_space<hbm>>) target(%arg6 : memref<256x128xf32, #tpu.memory_space<vmem>>) offsets(%dma_start3A_3 : memref<256xi32, #tpu.memory_space<vmem>>) semaphore(%arg8 : memref<!tpu.dma_semaphore, #tpu.memory_space<semaphore_mem>>)
    %dma_wait3A = arith.constant 0 : i32
    %dma_wait3A_7 = tpu.memref_slice %arg5[%dma_wait3A] : memref<512xi32, #tpu.memory_space<vmem>> -> memref<256xi32, #tpu.memory_space<vmem>>
    %dma_wait3A_8 = arith.constant 0 : i32
    %dma_wait3A_9 = arith.constant 0 : i32
    %dma_wait3A_10 = tpu.memref_slice %arg2[%dma_wait3A_8, %dma_wait3A_9] : memref<8192x128xf32, #tpu.memory_space<hbm>> -> memref<8192x128xf32, #tpu.memory_space<hbm>>
    tpu.wait_indirect_dma semaphore(%arg8 : memref<!tpu.dma_semaphore, #tpu.memory_space<semaphore_mem>>) src(%dma_wait3A_10 : memref<8192x128xf32, #tpu.memory_space<hbm>>) dst(%arg6 : memref<256x128xf32, #tpu.memory_space<vmem>>)
    %dma_start3A_11 = arith.constant 256 : i32
    %dma_start3A_12 = tpu.memref_slice %arg5[%dma_start3A_11] : memref<512xi32, #tpu.memory_space<vmem>> -> memref<256xi32, #tpu.memory_space<vmem>>
    %dma_start3A_13 = arith.constant 0 : i32
    %dma_start3A_14 = arith.constant 0 : i32
    %dma_start3A_15 = tpu.memref_slice %arg2[%dma_start3A_13, %dma_start3A_14] : memref<8192x128xf32, #tpu.memory_space<hbm>> -> memref<8192x128xf32, #tpu.memory_space<hbm>>
    tpu.enqueue_indirect_dma source(%dma_start3A_15 : memref<8192x128xf32, #tpu.memory_space<hbm>>) target(%arg7 : memref<256x128xf32, #tpu.memory_space<vmem>>) offsets(%dma_start3A_12 : memref<256xi32, #tpu.memory_space<vmem>>) semaphore(%arg8 : memref<!tpu.dma_semaphore, #tpu.memory_space<semaphore_mem>>)
    %add3A_16 = arith.constant 0 : i32
    %add3A_17 = arith.addi %mul3A_2, %add3A_16 : i32
    %dma_start3A_18 = arith.constant 0 : i32
    %dma_start3A_19 = tpu.memref_slice %arg4[%add3A_17, %dma_start3A_18] : memref<16384x128xf32, #tpu.memory_space<hbm>> -> memref<256x128xf32, #tpu.memory_space<hbm>>
    %dma_start3A_20 = arith.constant 0 : i32
    %dma_start3A_21 = tpu.memref_slice %arg4[%add3A_17, %dma_start3A_20] : memref<16384x128xf32, #tpu.memory_space<hbm>> -> memref<256x128xf32, #tpu.memory_space<hbm>>
    tpu.enqueue_dma source(%arg6 : memref<256x128xf32, #tpu.memory_space<vmem>>) target(%dma_start3A_21 : memref<256x128xf32, #tpu.memory_space<hbm>>) target_semaphore(%arg9 : memref<!tpu.dma_semaphore, #tpu.memory_space<semaphore_mem>>)
    %dma_wait3A_22 = arith.constant 256 : i32
    %dma_wait3A_23 = tpu.memref_slice %arg5[%dma_wait3A_22] : memref<512xi32, #tpu.memory_space<vmem>> -> memref<256xi32, #tpu.memory_space<vmem>>
    %dma_wait3A_24 = arith.constant 0 : i32
    %dma_wait3A_25 = arith.constant 0 : i32
    %dma_wait3A_26 = tpu.memref_slice %arg2[%dma_wait3A_24, %dma_wait3A_25] : memref<8192x128xf32, #tpu.memory_space<hbm>> -> memref<8192x128xf32, #tpu.memory_space<hbm>>
    tpu.wait_indirect_dma semaphore(%arg8 : memref<!tpu.dma_semaphore, #tpu.memory_space<semaphore_mem>>) src(%dma_wait3A_26 : memref<8192x128xf32, #tpu.memory_space<hbm>>) dst(%arg7 : memref<256x128xf32, #tpu.memory_space<vmem>>)
    %add3A_27 = arith.constant 256 : i32
    %add3A_28 = arith.addi %mul3A_2, %add3A_27 : i32
    %dma_start3A_29 = arith.constant 0 : i32
    %dma_start3A_30 = tpu.memref_slice %arg4[%add3A_28, %dma_start3A_29] : memref<16384x128xf32, #tpu.memory_space<hbm>> -> memref<256x128xf32, #tpu.memory_space<hbm>>
    %dma_start3A_31 = arith.constant 0 : i32
    %dma_start3A_32 = tpu.memref_slice %arg4[%add3A_28, %dma_start3A_31] : memref<16384x128xf32, #tpu.memory_space<hbm>> -> memref<256x128xf32, #tpu.memory_space<hbm>>
    tpu.enqueue_dma source(%arg7 : memref<256x128xf32, #tpu.memory_space<vmem>>) target(%dma_start3A_32 : memref<256x128xf32, #tpu.memory_space<hbm>>) target_semaphore(%arg9 : memref<!tpu.dma_semaphore, #tpu.memory_space<semaphore_mem>>)
    %add3A_33 = arith.constant 0 : i32
    %add3A_34 = arith.addi %mul3A_2, %add3A_33 : i32
    %dma_wait3A_35 = arith.constant 0 : i32
    %dma_wait3A_36 = tpu.memref_slice %arg4[%add3A_34, %dma_wait3A_35] : memref<16384x128xf32, #tpu.memory_space<hbm>> -> memref<256x128xf32, #tpu.memory_space<hbm>>
    %dma_wait3A_37 = arith.constant 0 : i32
    %dma_wait3A_38 = tpu.memref_slice %arg4[%add3A_34, %dma_wait3A_37] : memref<16384x128xf32, #tpu.memory_space<hbm>> -> memref<256x128xf32, #tpu.memory_space<hbm>>
    tpu.wait_dma2 semaphore(%arg9 : memref<!tpu.dma_semaphore, #tpu.memory_space<semaphore_mem>>) src(%arg6 : memref<256x128xf32, #tpu.memory_space<vmem>>) dst(%dma_wait3A_38 : memref<256x128xf32, #tpu.memory_space<hbm>>)
    %add3A_39 = arith.constant 256 : i32
    %add3A_40 = arith.addi %mul3A_2, %add3A_39 : i32
    %dma_wait3A_41 = arith.constant 0 : i32
    %dma_wait3A_42 = tpu.memref_slice %arg4[%add3A_40, %dma_wait3A_41] : memref<16384x128xf32, #tpu.memory_space<hbm>> -> memref<256x128xf32, #tpu.memory_space<hbm>>
    %dma_wait3A_43 = arith.constant 0 : i32
    %dma_wait3A_44 = tpu.memref_slice %arg4[%add3A_40, %dma_wait3A_43] : memref<16384x128xf32, #tpu.memory_space<hbm>> -> memref<256x128xf32, #tpu.memory_space<hbm>>
    tpu.wait_dma2 semaphore(%arg9 : memref<!tpu.dma_semaphore, #tpu.memory_space<semaphore_mem>>) src(%arg7 : memref<256x128xf32, #tpu.memory_space<vmem>>) dst(%dma_wait3A_44 : memref<256x128xf32, #tpu.memory_space<hbm>>)
    return
  }
}

#map = affine_map<(d0, d1) -> (0, 0)>
#map1 = affine_map<(d0, d1) -> (0)>
module attributes {stable_mosaic.version = 14 : i64} {
  func.func @k(%arg0: i32, %arg1: i32, %arg2: memref<8192x128xf32, #tpu.memory_space<hbm>>, %arg3: memref<16384xi32, #tpu.memory_space<hbm>>, %arg4: memref<16384x128xf32, #tpu.memory_space<hbm>>, %arg5: memref<512xi32, #tpu.memory_space<vmem>>, %arg6: memref<256x128xf32, #tpu.memory_space<vmem>>, %arg7: memref<256x128xf32, #tpu.memory_space<vmem>>, %arg8: memref<!tpu.dma_semaphore, #tpu.memory_space<semaphore_mem>>, %arg9: memref<!tpu.dma_semaphore, #tpu.memory_space<semaphore_mem>>) attributes {dimension_semantics = [#tpu.dimension_semantics<core_parallel>, #tpu.dimension_semantics<subcore_parallel>], iteration_bounds = array<i64: 2, 16>, scalar_prefetch = 0 : i64, scratch_operands = 5 : i64, tpu.core_type = #tpu.core_type<sc_vector_subcore>, window_params = [{transform_indices = #map}, {transform_indices = #map1}, {transform_indices = #map}]} {
    %mul3A = arith.constant 2 : i32
    %mul3A_0 = arith.muli %arg1, %mul3A : i32
    %add3A = arith.addi %mul3A_0, %arg0 : i32
    %mul3A_1 = arith.constant 512 : i32
    %mul3A_2 = arith.muli %add3A, %mul3A_1 : i32
    "tpu.region"() ({
      %run_scoped3A = tpu.sem_alloc : memref<!tpu.dma_semaphore, #tpu.memory_space<semaphore_mem>>
      %dma_start3A_45 = tpu.memref_slice %arg3[%mul3A_2] : memref<16384xi32, #tpu.memory_space<hbm>> -> memref<512xi32, #tpu.memory_space<hbm>>
      %dma_start3A_46 = tpu.memref_slice %arg3[%mul3A_2] : memref<16384xi32, #tpu.memory_space<hbm>> -> memref<512xi32, #tpu.memory_space<hbm>>
      tpu.enqueue_dma source(%dma_start3A_46 : memref<512xi32, #tpu.memory_space<hbm>>) target(%arg5 : memref<512xi32, #tpu.memory_space<vmem>>) target_semaphore(%run_scoped3A : memref<!tpu.dma_semaphore, #tpu.memory_space<semaphore_mem>>)
      %dma_wait3A_47 = tpu.memref_slice %arg3[%mul3A_2] : memref<16384xi32, #tpu.memory_space<hbm>> -> memref<512xi32, #tpu.memory_space<hbm>>
      %dma_wait3A_48 = tpu.memref_slice %arg3[%mul3A_2] : memref<16384xi32, #tpu.memory_space<hbm>> -> memref<512xi32, #tpu.memory_space<hbm>>
      tpu.wait_dma2 semaphore(%run_scoped3A : memref<!tpu.dma_semaphore, #tpu.memory_space<semaphore_mem>>) src(%dma_wait3A_48 : memref<512xi32, #tpu.memory_space<hbm>>) dst(%arg5 : memref<512xi32, #tpu.memory_space<vmem>>)
      tpu.yield
    }) : () -> ()
    %dma_start3A = arith.constant 0 : i32
    %dma_start3A_3 = tpu.memref_slice %arg5[%dma_start3A] : memref<512xi32, #tpu.memory_space<vmem>> -> memref<256xi32, #tpu.memory_space<vmem>>
    %dma_start3A_4 = arith.constant 0 : i32
    %dma_start3A_5 = arith.constant 0 : i32
    %dma_start3A_6 = tpu.memref_slice %arg2[%dma_start3A_4, %dma_start3A_5] : memref<8192x128xf32, #tpu.memory_space<hbm>> -> memref<8192x128xf32, #tpu.memory_space<hbm>>
    tpu.enqueue_indirect_dma source(%dma_start3A_6 : memref<8192x128xf32, #tpu.memory_space<hbm>>) target(%arg6 : memref<256x128xf32, #tpu.memory_space<vmem>>) offsets(%dma_start3A_3 : memref<256xi32, #tpu.memory_space<vmem>>) semaphore(%arg8 : memref<!tpu.dma_semaphore, #tpu.memory_space<semaphore_mem>>)
    %dma_wait3A = arith.constant 0 : i32
    %dma_wait3A_7 = tpu.memref_slice %arg5[%dma_wait3A] : memref<512xi32, #tpu.memory_space<vmem>> -> memref<256xi32, #tpu.memory_space<vmem>>
    %dma_wait3A_8 = arith.constant 0 : i32
    %dma_wait3A_9 = arith.constant 0 : i32
    %dma_wait3A_10 = tpu.memref_slice %arg2[%dma_wait3A_8, %dma_wait3A_9] : memref<8192x128xf32, #tpu.memory_space<hbm>> -> memref<8192x128xf32, #tpu.memory_space<hbm>>
    tpu.wait_indirect_dma semaphore(%arg8 : memref<!tpu.dma_semaphore, #tpu.memory_space<semaphore_mem>>) src(%dma_wait3A_10 : memref<8192x128xf32, #tpu.memory_space<hbm>>) dst(%arg6 : memref<256x128xf32, #tpu.memory_space<vmem>>)
    %dma_start3A_11 = arith.constant 256 : i32
    %dma_start3A_12 = tpu.memref_slice %arg5[%dma_start3A_11] : memref<512xi32, #tpu.memory_space<vmem>> -> memref<256xi32, #tpu.memory_space<vmem>>
    %dma_start3A_13 = arith.constant 0 : i32
    %dma_start3A_14 = arith.constant 0 : i32
    %dma_start3A_15 = tpu.memref_slice %arg2[%dma_start3A_13, %dma_start3A_14] : memref<8192x128xf32, #tpu.memory_space<hbm>> -> memref<8192x128xf32, #tpu.memory_space<hbm>>
    tpu.enqueue_indirect_dma source(%dma_start3A_15 : memref<8192x128xf32, #tpu.memory_space<hbm>>) target(%arg7 : memref<256x128xf32, #tpu.memory_space<vmem>>) offsets(%dma_start3A_12 : memref<256xi32, #tpu.memory_space<vmem>>) semaphore(%arg8 : memref<!tpu.dma_semaphore, #tpu.memory_space<semaphore_mem>>)
    %add3A_16 = arith.constant 0 : i32
    %add3A_17 = arith.addi %mul3A_2, %add3A_16 : i32
    %dma_start3A_18 = arith.constant 0 : i32
    %dma_start3A_19 = tpu.memref_slice %arg4[%add3A_17, %dma_start3A_18] : memref<16384x128xf32, #tpu.memory_space<hbm>> -> memref<256x128xf32, #tpu.memory_space<hbm>>
    %dma_start3A_20 = arith.constant 0 : i32
    %dma_start3A_21 = tpu.memref_slice %arg4[%add3A_17, %dma_start3A_20] : memref<16384x128xf32, #tpu.memory_space<hbm>> -> memref<256x128xf32, #tpu.memory_space<hbm>>
    tpu.enqueue_dma source(%arg6 : memref<256x128xf32, #tpu.memory_space<vmem>>) target(%dma_start3A_21 : memref<256x128xf32, #tpu.memory_space<hbm>>) target_semaphore(%arg9 : memref<!tpu.dma_semaphore, #tpu.memory_space<semaphore_mem>>)
    %dma_wait3A_22 = arith.constant 256 : i32
    %dma_wait3A_23 = tpu.memref_slice %arg5[%dma_wait3A_22] : memref<512xi32, #tpu.memory_space<vmem>> -> memref<256xi32, #tpu.memory_space<vmem>>
    %dma_wait3A_24 = arith.constant 0 : i32
    %dma_wait3A_25 = arith.constant 0 : i32
    %dma_wait3A_26 = tpu.memref_slice %arg2[%dma_wait3A_24, %dma_wait3A_25] : memref<8192x128xf32, #tpu.memory_space<hbm>> -> memref<8192x128xf32, #tpu.memory_space<hbm>>
    tpu.wait_indirect_dma semaphore(%arg8 : memref<!tpu.dma_semaphore, #tpu.memory_space<semaphore_mem>>) src(%dma_wait3A_26 : memref<8192x128xf32, #tpu.memory_space<hbm>>) dst(%arg7 : memref<256x128xf32, #tpu.memory_space<vmem>>)
    %add3A_27 = arith.constant 256 : i32
    %add3A_28 = arith.addi %mul3A_2, %add3A_27 : i32
    %dma_start3A_29 = arith.constant 0 : i32
    %dma_start3A_30 = tpu.memref_slice %arg4[%add3A_28, %dma_start3A_29] : memref<16384x128xf32, #tpu.memory_space<hbm>> -> memref<256x128xf32, #tpu.memory_space<hbm>>
    %dma_start3A_31 = arith.constant 0 : i32
    %dma_start3A_32 = tpu.memref_slice %arg4[%add3A_28, %dma_start3A_31] : memref<16384x128xf32, #tpu.memory_space<hbm>> -> memref<256x128xf32, #tpu.memory_space<hbm>>
    tpu.enqueue_dma source(%arg7 : memref<256x128xf32, #tpu.memory_space<vmem>>) target(%dma_start3A_32 : memref<256x128xf32, #tpu.memory_space<hbm>>) target_semaphore(%arg9 : memref<!tpu.dma_semaphore, #tpu.memory_space<semaphore_mem>>)
    %add3A_33 = arith.constant 0 : i32
    %add3A_34 = arith.addi %mul3A_2, %add3A_33 : i32
    %dma_wait3A_35 = arith.constant 0 : i32
    %dma_wait3A_36 = tpu.memref_slice %arg4[%add3A_34, %dma_wait3A_35] : memref<16384x128xf32, #tpu.memory_space<hbm>> -> memref<256x128xf32, #tpu.memory_space<hbm>>
    %dma_wait3A_37 = arith.constant 0 : i32
    %dma_wait3A_38 = tpu.memref_slice %arg4[%add3A_34, %dma_wait3A_37] : memref<16384x128xf32, #tpu.memory_space<hbm>> -> memref<256x128xf32, #tpu.memory_space<hbm>>
    tpu.wait_dma2 semaphore(%arg9 : memref<!tpu.dma_semaphore, #tpu.memory_space<semaphore_mem>>) src(%arg6 : memref<256x128xf32, #tpu.memory_space<vmem>>) dst(%dma_wait3A_38 : memref<256x128xf32, #tpu.memory_space<hbm>>)
    %add3A_39 = arith.constant 256 : i32
    %add3A_40 = arith.addi %mul3A_2, %add3A_39 : i32
    %dma_wait3A_41 = arith.constant 0 : i32
    %dma_wait3A_42 = tpu.memref_slice %arg4[%add3A_40, %dma_wait3A_41] : memref<16384x128xf32, #tpu.memory_space<hbm>> -> memref<256x128xf32, #tpu.memory_space<hbm>>
    %dma_wait3A_43 = arith.constant 0 : i32
    %dma_wait3A_44 = tpu.memref_slice %arg4[%add3A_40, %dma_wait3A_43] : memref<16384x128xf32, #tpu.memory_space<hbm>> -> memref<256x128xf32, #tpu.memory_space<hbm>>
    tpu.wait_dma2 semaphore(%arg9 : memref<!tpu.dma_semaphore, #tpu.memory_space<semaphore_mem>>) src(%arg7 : memref<256x128xf32, #tpu.memory_space<vmem>>) dst(%dma_wait3A_44 : memref<256x128xf32, #tpu.memory_space<hbm>>)
    return
  }
}

module attributes {stable_mosaic.version = 14 : i64} {
  func.func @_vq_body(%arg0: i32, %arg1: memref<1x128x512xf32, #tpu.memory_space<vmem>>, %arg2: memref<256x128xf32, #tpu.memory_space<vmem>>, %arg3: memref<256x1xf32, #tpu.memory_space<vmem>>, %arg4: memref<8192x256xf32, #tpu.memory_space<vmem>>, %arg5: memref<1x1x512xi32, #tpu.memory_space<vmem>>, %arg6: memref<1x1x512xf32, #tpu.memory_space<vmem>>, %arg7: memref<8192x1xf32, #tpu.memory_space<vmem>>) attributes {dimension_semantics = [#tpu.dimension_semantics<arbitrary>], iteration_bounds = array<i64: 32>, scalar_prefetch = 0 : i64, scratch_operands = 1 : i64, tpu.core_type = #tpu.core_type<tc>, window_params = [{transform_indices = @transform_0, window_bounds = array<i64: 1, 128, 512>}, {pipeline_mode = #tpu.pipeline_mode<synchronous>, transform_indices = @transform_1, window_bounds = array<i64: 256, 128>}, {pipeline_mode = #tpu.pipeline_mode<synchronous>, transform_indices = @transform_2, window_bounds = array<i64: 256, 1>}, {pipeline_mode = #tpu.pipeline_mode<synchronous>, transform_indices = @transform_3, window_bounds = array<i64: 8192, 256>}, {transform_indices = @transform_4, window_bounds = array<i64: 1, 1, 512>}, {transform_indices = @transform_5, window_bounds = array<i64: 1, 1, 512>}]} {
    %eq3A = arith.constant 0 : i32
    %eq3A_0 = arith.cmpi eq, %arg0, %eq3A : i32
    %convert_element_type3A = arith.extui %eq3A_0 : i1 to i32
    %cond3A = arith.constant 0 : i32
    %cond3A_1 = arith.cmpi ne, %convert_element_type3A, %cond3A : i32
    scf.if %cond3A_1 {
      %get3A_107 = arith.constant 0 : index
      %get3A_108 = arith.constant 0 : index
      %get3A_109 = vector.load %arg4[%get3A_107, %get3A_108] : memref<8192x256xf32, #tpu.memory_space<vmem>>, vector<2048x256xf32>
      %mul3A_110 = arith.mulf %get3A_109, %get3A_109 : vector<2048x256xf32>
      %reduce_sum3A_111 = arith.constant dense<0.000000e+00> : vector<2048xf32>
      %reduce_sum3A_112 = vector.multi_reduction <add>, %mul3A_110, %reduce_sum3A_111 [1] : vector<2048x256xf32> to vector<2048xf32>
      %broadcast_in_dim3A_113 = vector.shape_cast %reduce_sum3A_112 : vector<2048xf32> to vector<2048x1xf32>
      %swap3A_114 = arith.constant 0 : index
      %swap3A_115 = arith.constant 0 : index
      %swap3A_116 = vector.load %arg7[%swap3A_114, %swap3A_115] : memref<8192x1xf32, #tpu.memory_space<vmem>>, vector<2048x1xf32>
      tpu.vector_store %arg7[%swap3A_114, %swap3A_115], %broadcast_in_dim3A_113 {strides = array<i32>} : memref<8192x1xf32, #tpu.memory_space<vmem>>, vector<2048x1xf32>,
      %get3A_117 = arith.constant 2048 : index
      %get3A_118 = arith.constant 0 : index
      %get3A_119 = vector.load %arg4[%get3A_117, %get3A_118] : memref<8192x256xf32, #tpu.memory_space<vmem>>, vector<2048x256xf32>
      %mul3A_120 = arith.mulf %get3A_119, %get3A_119 : vector<2048x256xf32>
      %reduce_sum3A_121 = arith.constant dense<0.000000e+00> : vector<2048xf32>
      %reduce_sum3A_122 = vector.multi_reduction <add>, %mul3A_120, %reduce_sum3A_121 [1] : vector<2048x256xf32> to vector<2048xf32>
      %broadcast_in_dim3A_123 = vector.shape_cast %reduce_sum3A_122 : vector<2048xf32> to vector<2048x1xf32>
      %swap3A_124 = arith.constant 2048 : index
      %swap3A_125 = arith.constant 0 : index
      %swap3A_126 = vector.load %arg7[%swap3A_124, %swap3A_125] : memref<8192x1xf32, #tpu.memory_space<vmem>>, vector<2048x1xf32>
      tpu.vector_store %arg7[%swap3A_124, %swap3A_125], %broadcast_in_dim3A_123 {strides = array<i32>} : memref<8192x1xf32, #tpu.memory_space<vmem>>, vector<2048x1xf32>,
      %get3A_127 = arith.constant 4096 : index
      %get3A_128 = arith.constant 0 : index
      %get3A_129 = vector.load %arg4[%get3A_127, %get3A_128] : memref<8192x256xf32, #tpu.memory_space<vmem>>, vector<2048x256xf32>
      %mul3A_130 = arith.mulf %get3A_129, %get3A_129 : vector<2048x256xf32>
      %reduce_sum3A_131 = arith.constant dense<0.000000e+00> : vector<2048xf32>
      %reduce_sum3A_132 = vector.multi_reduction <add>, %mul3A_130, %reduce_sum3A_131 [1] : vector<2048x256xf32> to vector<2048xf32>
      %broadcast_in_dim3A_133 = vector.shape_cast %reduce_sum3A_132 : vector<2048xf32> to vector<2048x1xf32>
      %swap3A_134 = arith.constant 4096 : index
      %swap3A_135 = arith.constant 0 : index
      %swap3A_136 = vector.load %arg7[%swap3A_134, %swap3A_135] : memref<8192x1xf32, #tpu.memory_space<vmem>>, vector<2048x1xf32>
      tpu.vector_store %arg7[%swap3A_134, %swap3A_135], %broadcast_in_dim3A_133 {strides = array<i32>} : memref<8192x1xf32, #tpu.memory_space<vmem>>, vector<2048x1xf32>,
      %get3A_137 = arith.constant 6144 : index
      %get3A_138 = arith.constant 0 : index
      %get3A_139 = vector.load %arg4[%get3A_137, %get3A_138] : memref<8192x256xf32, #tpu.memory_space<vmem>>, vector<2048x256xf32>
      %mul3A_140 = arith.mulf %get3A_139, %get3A_139 : vector<2048x256xf32>
      %reduce_sum3A_141 = arith.constant dense<0.000000e+00> : vector<2048xf32>
      %reduce_sum3A_142 = vector.multi_reduction <add>, %mul3A_140, %reduce_sum3A_141 [1] : vector<2048x256xf32> to vector<2048xf32>
      %broadcast_in_dim3A_143 = vector.shape_cast %reduce_sum3A_142 : vector<2048xf32> to vector<2048x1xf32>
      %swap3A_144 = arith.constant 6144 : index
      %swap3A_145 = arith.constant 0 : index
      %swap3A_146 = vector.load %arg7[%swap3A_144, %swap3A_145] : memref<8192x1xf32, #tpu.memory_space<vmem>>, vector<2048x1xf32>
      tpu.vector_store %arg7[%swap3A_144, %swap3A_145], %broadcast_in_dim3A_143 {strides = array<i32>} : memref<8192x1xf32, #tpu.memory_space<vmem>>, vector<2048x1xf32>,
    } else {
    }
    %get3A = arith.constant 0 : index
    %get3A_2 = arith.constant 0 : index
    %get3A_3 = arith.constant 0 : index
    %get3A_4 = vector.load %arg1[%get3A, %get3A_2, %get3A_3] : memref<1x128x512xf32, #tpu.memory_space<vmem>>, vector<1x128x512xf32>
    %get3A_5 = vector.shape_cast %get3A_4 : vector<1x128x512xf32> to vector<128x512xf32>
    %get3A_6 = arith.constant 0 : index
    %get3A_7 = arith.constant 0 : index
    %get3A_8 = vector.load %arg2[%get3A_6, %get3A_7] : memref<256x128xf32, #tpu.memory_space<vmem>>, vector<256x128xf32>
    %dot_general3A = arith.constant dense<0.000000e+00> : vector<256x512xf32>
    %dot_general3A_9 = tpu.matmul %get3A_8, %get3A_5, %dot_general3A {dimension_numbers = #tpu.dot_dimension_numbers<[1], [0], [0], [1], [0, 0, 1, 1], [], []>, transpose_lhs_hint = false} : vector<256x128xf32>, vector<128x512xf32>, vector<256x512xf32> -> vector<256x512xf32>
    %get3A_10 = arith.constant 0 : index
    %get3A_11 = arith.constant 0 : index
    %get3A_12 = vector.load %arg3[%get3A_10, %get3A_11] : memref<256x1xf32, #tpu.memory_space<vmem>>, vector<256x1xf32>
    %add3A = vector.broadcast %get3A_12 : vector<256x1xf32> to vector<256x512xf32>
    %add3A_13 = arith.addf %dot_general3A_9, %add3A : vector<256x512xf32>
    %mul3A = arith.mulf %add3A_13, %add3A_13 : vector<256x512xf32>
    %reduce_sum3A = arith.constant dense<0.000000e+00> : vector<512xf32>
    %reduce_sum3A_14 = vector.multi_reduction <add>, %mul3A, %reduce_sum3A [0] : vector<256x512xf32> to vector<512xf32>
    %broadcast_in_dim3A = vector.shape_cast %reduce_sum3A_14 : vector<512xf32> to vector<1x512xf32>
    %mul3A_15 = arith.constant -2.000000e+00 : f32
    %mul3A_16 = vector.broadcast %mul3A_15 : f32 to vector<256x512xf32>
    %mul3A_17 = arith.mulf %mul3A_16, %add3A_13 : vector<256x512xf32>
    %get3A_18 = arith.constant 0 : index
    %get3A_19 = arith.constant 0 : index
    %get3A_20 = vector.load %arg4[%get3A_18, %get3A_19] : memref<8192x256xf32, #tpu.memory_space<vmem>>, vector<2048x256xf32>
    %dot_general3A_21 = arith.constant dense<0.000000e+00> : vector<2048x512xf32>
    %dot_general3A_22 = tpu.matmul %get3A_20, %mul3A_17, %dot_general3A_21 {dimension_numbers = #tpu.dot_dimension_numbers<[1], [0], [0], [1], [0, 0, 1, 1], [], []>, transpose_lhs_hint = false} : vector<2048x256xf32>, vector<256x512xf32>, vector<2048x512xf32> -> vector<2048x512xf32>
    %get3A_23 = arith.constant 0 : index
    %get3A_24 = arith.constant 0 : index
    %get3A_25 = vector.load %arg7[%get3A_23, %get3A_24] : memref<8192x1xf32, #tpu.memory_space<vmem>>, vector<2048x1xf32>
    %add3A_26 = vector.broadcast %get3A_25 : vector<2048x1xf32> to vector<2048x512xf32>
    %add3A_27 = arith.addf %dot_general3A_22, %add3A_26 : vector<2048x512xf32>
    %reduce_min3A = arith.constant dense<0x7F800000> : vector<512xf32>
    %reduce_min3A_28 = vector.multi_reduction <minimumf>, %add3A_27, %reduce_min3A [0] : vector<2048x512xf32> to vector<512xf32>
    %broadcast_in_dim3A_29 = vector.shape_cast %reduce_min3A_28 : vector<512xf32> to vector<1x512xf32>
    %argmin3A = tpu.reduce_index %add3A_27 {axis = 0 : i32, kind = #tpu.reduction_kind<arg_min>} : vector<2048x512xf32> -> vector<512xi32>
    %broadcast_in_dim3A_30 = vector.shape_cast %argmin3A : vector<512xi32> to vector<1x512xi32>
    %add3A_31 = arith.constant 0 : i32
    %add3A_32 = vector.broadcast %add3A_31 : i32 to vector<1x512xi32>
    %add3A_33 = arith.addi %broadcast_in_dim3A_30, %add3A_32 : vector<1x512xi32>
    %get3A_34 = arith.constant 2048 : index
    %get3A_35 = arith.constant 0 : index
    %get3A_36 = vector.load %arg4[%get3A_34, %get3A_35] : memref<8192x256xf32, #tpu.memory_space<vmem>>, vector<2048x256xf32>
    %dot_general3A_37 = arith.constant dense<0.000000e+00> : vector<2048x512xf32>
    %dot_general3A_38 = tpu.matmul %get3A_36, %mul3A_17, %dot_general3A_37 {dimension_numbers = #tpu.dot_dimension_numbers<[1], [0], [0], [1], [0, 0, 1, 1], [], []>, transpose_lhs_hint = false} : vector<2048x256xf32>, vector<256x512xf32>, vector<2048x512xf32> -> vector<2048x512xf32>
    %get3A_39 = arith.constant 2048 : index
    %get3A_40 = arith.constant 0 : index
    %get3A_41 = vector.load %arg7[%get3A_39, %get3A_40] : memref<8192x1xf32, #tpu.memory_space<vmem>>, vector<2048x1xf32>
    %add3A_42 = vector.broadcast %get3A_41 : vector<2048x1xf32> to vector<2048x512xf32>
    %add3A_43 = arith.addf %dot_general3A_38, %add3A_42 : vector<2048x512xf32>
    %reduce_min3A_44 = arith.constant dense<0x7F800000> : vector<512xf32>
    %reduce_min3A_45 = vector.multi_reduction <minimumf>, %add3A_43, %reduce_min3A_44 [0] : vector<2048x512xf32> to vector<512xf32>
    %broadcast_in_dim3A_46 = vector.shape_cast %reduce_min3A_45 : vector<512xf32> to vector<1x512xf32>
    %argmin3A_47 = tpu.reduce_index %add3A_43 {axis = 0 : i32, kind = #tpu.reduction_kind<arg_min>} : vector<2048x512xf32> -> vector<512xi32>
    %broadcast_in_dim3A_48 = vector.shape_cast %argmin3A_47 : vector<512xi32> to vector<1x512xi32>
    %add3A_49 = arith.constant 2048 : i32
    %add3A_50 = vector.broadcast %add3A_49 : i32 to vector<1x512xi32>
    %add3A_51 = arith.addi %broadcast_in_dim3A_48, %add3A_50 : vector<1x512xi32>
    %lt3A = arith.cmpf olt, %broadcast_in_dim3A_46, %broadcast_in_dim3A_29 : vector<1x512xf32>
    %select_n3A = arith.select %lt3A, %broadcast_in_dim3A_46, %broadcast_in_dim3A_29 : vector<1x512xi1>, vector<1x512xf32>
    %select_n3A_52 = arith.select %lt3A, %add3A_51, %add3A_33 : vector<1x512xi1>, vector<1x512xi32>
    %get3A_53 = arith.constant 4096 : index
    %get3A_54 = arith.constant 0 : index
    %get3A_55 = vector.load %arg4[%get3A_53, %get3A_54] : memref<8192x256xf32, #tpu.memory_space<vmem>>, vector<2048x256xf32>
    %dot_general3A_56 = arith.constant dense<0.000000e+00> : vector<2048x512xf32>
    %dot_general3A_57 = tpu.matmul %get3A_55, %mul3A_17, %dot_general3A_56 {dimension_numbers = #tpu.dot_dimension_numbers<[1], [0], [0], [1], [0, 0, 1, 1], [], []>, transpose_lhs_hint = false} : vector<2048x256xf32>, vector<256x512xf32>, vector<2048x512xf32> -> vector<2048x512xf32>
    %get3A_58 = arith.constant 4096 : index
    %get3A_59 = arith.constant 0 : index
    %get3A_60 = vector.load %arg7[%get3A_58, %get3A_59] : memref<8192x1xf32, #tpu.memory_space<vmem>>, vector<2048x1xf32>
    %add3A_61 = vector.broadcast %get3A_60 : vector<2048x1xf32> to vector<2048x512xf32>
    %add3A_62 = arith.addf %dot_general3A_57, %add3A_61 : vector<2048x512xf32>
    %reduce_min3A_63 = arith.constant dense<0x7F800000> : vector<512xf32>
    %reduce_min3A_64 = vector.multi_reduction <minimumf>, %add3A_62, %reduce_min3A_63 [0] : vector<2048x512xf32> to vector<512xf32>
    %broadcast_in_dim3A_65 = vector.shape_cast %reduce_min3A_64 : vector<512xf32> to vector<1x512xf32>
    %argmin3A_66 = tpu.reduce_index %add3A_62 {axis = 0 : i32, kind = #tpu.reduction_kind<arg_min>} : vector<2048x512xf32> -> vector<512xi32>
    %broadcast_in_dim3A_67 = vector.shape_cast %argmin3A_66 : vector<512xi32> to vector<1x512xi32>
    %add3A_68 = arith.constant 4096 : i32
    %add3A_69 = vector.broadcast %add3A_68 : i32 to vector<1x512xi32>
    %add3A_70 = arith.addi %broadcast_in_dim3A_67, %add3A_69 : vector<1x512xi32>
    %lt3A_71 = arith.cmpf olt, %broadcast_in_dim3A_65, %select_n3A : vector<1x512xf32>
    %select_n3A_72 = arith.select %lt3A_71, %broadcast_in_dim3A_65, %select_n3A : vector<1x512xi1>, vector<1x512xf32>
    %select_n3A_73 = arith.select %lt3A_71, %add3A_70, %select_n3A_52 : vector<1x512xi1>, vector<1x512xi32>
    %get3A_74 = arith.constant 6144 : index
    %get3A_75 = arith.constant 0 : index
    %get3A_76 = vector.load %arg4[%get3A_74, %get3A_75] : memref<8192x256xf32, #tpu.memory_space<vmem>>, vector<2048x256xf32>
    %dot_general3A_77 = arith.constant dense<0.000000e+00> : vector<2048x512xf32>
    %dot_general3A_78 = tpu.matmul %get3A_76, %mul3A_17, %dot_general3A_77 {dimension_numbers = #tpu.dot_dimension_numbers<[1], [0], [0], [1], [0, 0, 1, 1], [], []>, transpose_lhs_hint = false} : vector<2048x256xf32>, vector<256x512xf32>, vector<2048x512xf32> -> vector<2048x512xf32>
    %get3A_79 = arith.constant 6144 : index
    %get3A_80 = arith.constant 0 : index
    %get3A_81 = vector.load %arg7[%get3A_79, %get3A_80] : memref<8192x1xf32, #tpu.memory_space<vmem>>, vector<2048x1xf32>
    %add3A_82 = vector.broadcast %get3A_81 : vector<2048x1xf32> to vector<2048x512xf32>
    %add3A_83 = arith.addf %dot_general3A_78, %add3A_82 : vector<2048x512xf32>
    %reduce_min3A_84 = arith.constant dense<0x7F800000> : vector<512xf32>
    %reduce_min3A_85 = vector.multi_reduction <minimumf>, %add3A_83, %reduce_min3A_84 [0] : vector<2048x512xf32> to vector<512xf32>
    %broadcast_in_dim3A_86 = vector.shape_cast %reduce_min3A_85 : vector<512xf32> to vector<1x512xf32>
    %argmin3A_87 = tpu.reduce_index %add3A_83 {axis = 0 : i32, kind = #tpu.reduction_kind<arg_min>} : vector<2048x512xf32> -> vector<512xi32>
    %broadcast_in_dim3A_88 = vector.shape_cast %argmin3A_87 : vector<512xi32> to vector<1x512xi32>
    %add3A_89 = arith.constant 6144 : i32
    %add3A_90 = vector.broadcast %add3A_89 : i32 to vector<1x512xi32>
    %add3A_91 = arith.addi %broadcast_in_dim3A_88, %add3A_90 : vector<1x512xi32>
    %lt3A_92 = arith.cmpf olt, %broadcast_in_dim3A_86, %select_n3A_72 : vector<1x512xf32>
    %select_n3A_93 = arith.select %lt3A_92, %broadcast_in_dim3A_86, %select_n3A_72 : vector<1x512xi1>, vector<1x512xf32>
    %select_n3A_94 = arith.select %lt3A_92, %add3A_91, %select_n3A_73 : vector<1x512xi1>, vector<1x512xi32>
    %swap3A = arith.constant 0 : index
    %swap3A_95 = arith.constant 0 : index
    %swap3A_96 = arith.constant 0 : index
    %swap3A_97 = vector.load %arg5[%swap3A, %swap3A_95, %swap3A_96] : memref<1x1x512xi32, #tpu.memory_space<vmem>>, vector<1x1x512xi32>
    %swap3A_98 = vector.shape_cast %swap3A_97 : vector<1x1x512xi32> to vector<1x512xi32>
    %swap3A_99 = vector.shape_cast %select_n3A_94 : vector<1x512xi32> to vector<1x1x512xi32>
    tpu.vector_store %arg5[%swap3A, %swap3A_95, %swap3A_96], %swap3A_99 {strides = array<i32>} : memref<1x1x512xi32, #tpu.memory_space<vmem>>, vector<1x1x512xi32>,
    %add3A_100 = arith.addf %select_n3A_93, %broadcast_in_dim3A : vector<1x512xf32>
    %swap3A_101 = arith.constant 0 : index
    %swap3A_102 = arith.constant 0 : index
    %swap3A_103 = arith.constant 0 : index
    %swap3A_104 = vector.load %arg6[%swap3A_101, %swap3A_102, %swap3A_103] : memref<1x1x512xf32, #tpu.memory_space<vmem>>, vector<1x1x512xf32>
    %swap3A_105 = vector.shape_cast %swap3A_104 : vector<1x1x512xf32> to vector<1x512xf32>
    %swap3A_106 = vector.shape_cast %add3A_100 : vector<1x512xf32> to vector<1x1x512xf32>
    tpu.vector_store %arg6[%swap3A_101, %swap3A_102, %swap3A_103], %swap3A_106 {strides = array<i32>} : memref<1x1x512xf32, #tpu.memory_space<vmem>>, vector<1x1x512xf32>,
    return
  }
  func.func @transform_0(%arg0: i32) -> (i32, i32, i32) {
    %add3A = arith.constant 32 : i32
    %add3A_0 = arith.addi %arg0, %add3A : i32
    %c0_i32 = arith.constant 0 : i32
    %c0_i32_1 = arith.constant 0 : i32
    %c0_i32_2 = arith.constant 0 : i32
    return %add3A_0, %c0_i32, %c0_i32_1 : i32, i32, i32
  }
  func.func @transform_1(%arg0: i32) -> (i32, i32) {
    %c0_i32 = arith.constant 0 : i32
    %c0_i32_0 = arith.constant 0 : i32
    %c0_i32_1 = arith.constant 0 : i32
    return %c0_i32, %c0_i32_0 : i32, i32
  }
  func.func @transform_2(%arg0: i32) -> (i32, i32) {
    %c0_i32 = arith.constant 0 : i32
    %c0_i32_0 = arith.constant 0 : i32
    %c0_i32_1 = arith.constant 0 : i32
    return %c0_i32, %c0_i32_0 : i32, i32
  }
  func.func @transform_3(%arg0: i32) -> (i32, i32) {
    %c0_i32 = arith.constant 0 : i32
    %c0_i32_0 = arith.constant 0 : i32
    %c0_i32_1 = arith.constant 0 : i32
    return %c0_i32, %c0_i32_0 : i32, i32
  }
  func.func @transform_4(%arg0: i32) -> (i32, i32, i32) {
    %c0_i32 = arith.constant 0 : i32
    %c0_i32_0 = arith.constant 0 : i32
    %c0_i32_1 = arith.constant 0 : i32
    return %arg0, %c0_i32, %c0_i32_0 : i32, i32, i32
  }
  func.func @transform_5(%arg0: i32) -> (i32, i32, i32) {
    %c0_i32 = arith.constant 0 : i32
    %c0_i32_0 = arith.constant 0 : i32
    %c0_i32_1 = arith.constant 0 : i32
    return %arg0, %c0_i32, %c0_i32_0 : i32, i32, i32
  }
}

module attributes {stable_mosaic.version = 14 : i64} {
  func.func @_dec_body(%arg0: i32, %arg1: memref<2048x256xf32, #tpu.memory_space<vmem>>, %arg2: memref<128x256xf32, #tpu.memory_space<vmem>>, %arg3: memref<1x128xf32, #tpu.memory_space<vmem>>, %arg4: memref<2048x128xf32, #tpu.memory_space<vmem>>) attributes {dimension_semantics = [#tpu.dimension_semantics<arbitrary>], iteration_bounds = array<i64: 4>, scalar_prefetch = 0 : i64, scratch_operands = 0 : i64, tpu.core_type = #tpu.core_type<tc>, window_params = [{transform_indices = @transform_0, window_bounds = array<i64: 2048, 256>}, {pipeline_mode = #tpu.pipeline_mode<synchronous>, transform_indices = @transform_1, window_bounds = array<i64: 128, 256>}, {pipeline_mode = #tpu.pipeline_mode<synchronous>, transform_indices = @transform_2, window_bounds = array<i64: 1, 128>}, {transform_indices = @transform_3, window_bounds = array<i64: 2048, 128>}]} {
    %get3A = arith.constant 0 : index
    %get3A_0 = arith.constant 0 : index
    %get3A_1 = vector.load %arg1[%get3A, %get3A_0] : memref<2048x256xf32, #tpu.memory_space<vmem>>, vector<2048x256xf32>
    %get3A_2 = arith.constant 0 : index
    %get3A_3 = arith.constant 0 : index
    %get3A_4 = vector.load %arg2[%get3A_2, %get3A_3] : memref<128x256xf32, #tpu.memory_space<vmem>>, vector<128x256xf32>
    %dot_general3A = arith.constant dense<0.000000e+00> : vector<2048x128xf32>
    %dot_general3A_5 = tpu.matmul %get3A_1, %get3A_4, %dot_general3A {dimension_numbers = #tpu.dot_dimension_numbers<[1], [1], [0], [0], [0, 0, 1, 0], [], []>, transpose_lhs_hint = false} : vector<2048x256xf32>, vector<128x256xf32>, vector<2048x128xf32> -> vector<2048x128xf32>
    %get3A_6 = arith.constant 0 : index
    %get3A_7 = arith.constant 0 : index
    %get3A_8 = vector.load %arg3[%get3A_6, %get3A_7] : memref<1x128xf32, #tpu.memory_space<vmem>>, vector<1x128xf32>
    %add3A = vector.broadcast %get3A_8 : vector<1x128xf32> to vector<2048x128xf32>
    %add3A_9 = arith.addf %dot_general3A_5, %add3A : vector<2048x128xf32>
    %swap3A = arith.constant 0 : index
    %swap3A_10 = arith.constant 0 : index
    %swap3A_11 = vector.load %arg4[%swap3A, %swap3A_10] : memref<2048x128xf32, #tpu.memory_space<vmem>>, vector<2048x128xf32>
    tpu.vector_store %arg4[%swap3A, %swap3A_10], %add3A_9 {strides = array<i32>} : memref<2048x128xf32, #tpu.memory_space<vmem>>, vector<2048x128xf32>,
    return
  }
  func.func @transform_0(%arg0: i32) -> (i32, i32) {
    %c0_i32 = arith.constant 0 : i32
    %c0_i32_0 = arith.constant 0 : i32
    return %arg0, %c0_i32 : i32, i32
  }
  func.func @transform_1(%arg0: i32) -> (i32, i32) {
    %c0_i32 = arith.constant 0 : i32
    %c0_i32_0 = arith.constant 0 : i32
    %c0_i32_1 = arith.constant 0 : i32
    return %c0_i32, %c0_i32_0 : i32, i32
  }
  func.func @transform_2(%arg0: i32) -> (i32, i32) {
    %c0_i32 = arith.constant 0 : i32
    %c0_i32_0 = arith.constant 0 : i32
    %c0_i32_1 = arith.constant 0 : i32
    return %c0_i32, %c0_i32_0 : i32, i32
  }
  func.func @transform_3(%arg0: i32) -> (i32, i32) {
    %c0_i32 = arith.constant 0 : i32
    %c0_i32_0 = arith.constant 0 : i32
    return %arg0, %c0_i32 : i32, i32
  }
}

module attributes {stable_mosaic.version = 14 : i64} {
  func.func @_vq_body(%arg0: i32, %arg1: memref<1x128x512xf32, #tpu.memory_space<vmem>>, %arg2: memref<256x128xf32, #tpu.memory_space<vmem>>, %arg3: memref<256x1xf32, #tpu.memory_space<vmem>>, %arg4: memref<8192x256xf32, #tpu.memory_space<vmem>>, %arg5: memref<1x1x512xi32, #tpu.memory_space<vmem>>, %arg6: memref<1x1x512xf32, #tpu.memory_space<vmem>>, %arg7: memref<8192x1xf32, #tpu.memory_space<vmem>>) attributes {dimension_semantics = [#tpu.dimension_semantics<arbitrary>], iteration_bounds = array<i64: 32>, scalar_prefetch = 0 : i64, scratch_operands = 1 : i64, tpu.core_type = #tpu.core_type<tc>, window_params = [{transform_indices = @transform_0, window_bounds = array<i64: 1, 128, 512>}, {pipeline_mode = #tpu.pipeline_mode<synchronous>, transform_indices = @transform_1, window_bounds = array<i64: 256, 128>}, {pipeline_mode = #tpu.pipeline_mode<synchronous>, transform_indices = @transform_2, window_bounds = array<i64: 256, 1>}, {pipeline_mode = #tpu.pipeline_mode<synchronous>, transform_indices = @transform_3, window_bounds = array<i64: 8192, 256>}, {transform_indices = @transform_4, window_bounds = array<i64: 1, 1, 512>}, {transform_indices = @transform_5, window_bounds = array<i64: 1, 1, 512>}]} {
    %eq3A = arith.constant 0 : i32
    %eq3A_0 = arith.cmpi eq, %arg0, %eq3A : i32
    %convert_element_type3A = arith.extui %eq3A_0 : i1 to i32
    %cond3A = arith.constant 0 : i32
    %cond3A_1 = arith.cmpi ne, %convert_element_type3A, %cond3A : i32
    scf.if %cond3A_1 {
      %get3A_107 = arith.constant 0 : index
      %get3A_108 = arith.constant 0 : index
      %get3A_109 = vector.load %arg4[%get3A_107, %get3A_108] : memref<8192x256xf32, #tpu.memory_space<vmem>>, vector<2048x256xf32>
      %mul3A_110 = arith.mulf %get3A_109, %get3A_109 : vector<2048x256xf32>
      %reduce_sum3A_111 = arith.constant dense<0.000000e+00> : vector<2048xf32>
      %reduce_sum3A_112 = vector.multi_reduction <add>, %mul3A_110, %reduce_sum3A_111 [1] : vector<2048x256xf32> to vector<2048xf32>
      %broadcast_in_dim3A_113 = vector.shape_cast %reduce_sum3A_112 : vector<2048xf32> to vector<2048x1xf32>
      %swap3A_114 = arith.constant 0 : index
      %swap3A_115 = arith.constant 0 : index
      %swap3A_116 = vector.load %arg7[%swap3A_114, %swap3A_115] : memref<8192x1xf32, #tpu.memory_space<vmem>>, vector<2048x1xf32>
      tpu.vector_store %arg7[%swap3A_114, %swap3A_115], %broadcast_in_dim3A_113 {strides = array<i32>} : memref<8192x1xf32, #tpu.memory_space<vmem>>, vector<2048x1xf32>,
      %get3A_117 = arith.constant 2048 : index
      %get3A_118 = arith.constant 0 : index
      %get3A_119 = vector.load %arg4[%get3A_117, %get3A_118] : memref<8192x256xf32, #tpu.memory_space<vmem>>, vector<2048x256xf32>
      %mul3A_120 = arith.mulf %get3A_119, %get3A_119 : vector<2048x256xf32>
      %reduce_sum3A_121 = arith.constant dense<0.000000e+00> : vector<2048xf32>
      %reduce_sum3A_122 = vector.multi_reduction <add>, %mul3A_120, %reduce_sum3A_121 [1] : vector<2048x256xf32> to vector<2048xf32>
      %broadcast_in_dim3A_123 = vector.shape_cast %reduce_sum3A_122 : vector<2048xf32> to vector<2048x1xf32>
      %swap3A_124 = arith.constant 2048 : index
      %swap3A_125 = arith.constant 0 : index
      %swap3A_126 = vector.load %arg7[%swap3A_124, %swap3A_125] : memref<8192x1xf32, #tpu.memory_space<vmem>>, vector<2048x1xf32>
      tpu.vector_store %arg7[%swap3A_124, %swap3A_125], %broadcast_in_dim3A_123 {strides = array<i32>} : memref<8192x1xf32, #tpu.memory_space<vmem>>, vector<2048x1xf32>,
      %get3A_127 = arith.constant 4096 : index
      %get3A_128 = arith.constant 0 : index
      %get3A_129 = vector.load %arg4[%get3A_127, %get3A_128] : memref<8192x256xf32, #tpu.memory_space<vmem>>, vector<2048x256xf32>
      %mul3A_130 = arith.mulf %get3A_129, %get3A_129 : vector<2048x256xf32>
      %reduce_sum3A_131 = arith.constant dense<0.000000e+00> : vector<2048xf32>
      %reduce_sum3A_132 = vector.multi_reduction <add>, %mul3A_130, %reduce_sum3A_131 [1] : vector<2048x256xf32> to vector<2048xf32>
      %broadcast_in_dim3A_133 = vector.shape_cast %reduce_sum3A_132 : vector<2048xf32> to vector<2048x1xf32>
      %swap3A_134 = arith.constant 4096 : index
      %swap3A_135 = arith.constant 0 : index
      %swap3A_136 = vector.load %arg7[%swap3A_134, %swap3A_135] : memref<8192x1xf32, #tpu.memory_space<vmem>>, vector<2048x1xf32>
      tpu.vector_store %arg7[%swap3A_134, %swap3A_135], %broadcast_in_dim3A_133 {strides = array<i32>} : memref<8192x1xf32, #tpu.memory_space<vmem>>, vector<2048x1xf32>,
      %get3A_137 = arith.constant 6144 : index
      %get3A_138 = arith.constant 0 : index
      %get3A_139 = vector.load %arg4[%get3A_137, %get3A_138] : memref<8192x256xf32, #tpu.memory_space<vmem>>, vector<2048x256xf32>
      %mul3A_140 = arith.mulf %get3A_139, %get3A_139 : vector<2048x256xf32>
      %reduce_sum3A_141 = arith.constant dense<0.000000e+00> : vector<2048xf32>
      %reduce_sum3A_142 = vector.multi_reduction <add>, %mul3A_140, %reduce_sum3A_141 [1] : vector<2048x256xf32> to vector<2048xf32>
      %broadcast_in_dim3A_143 = vector.shape_cast %reduce_sum3A_142 : vector<2048xf32> to vector<2048x1xf32>
      %swap3A_144 = arith.constant 6144 : index
      %swap3A_145 = arith.constant 0 : index
      %swap3A_146 = vector.load %arg7[%swap3A_144, %swap3A_145] : memref<8192x1xf32, #tpu.memory_space<vmem>>, vector<2048x1xf32>
      tpu.vector_store %arg7[%swap3A_144, %swap3A_145], %broadcast_in_dim3A_143 {strides = array<i32>} : memref<8192x1xf32, #tpu.memory_space<vmem>>, vector<2048x1xf32>,
    } else {
    }
    %get3A = arith.constant 0 : index
    %get3A_2 = arith.constant 0 : index
    %get3A_3 = arith.constant 0 : index
    %get3A_4 = vector.load %arg1[%get3A, %get3A_2, %get3A_3] : memref<1x128x512xf32, #tpu.memory_space<vmem>>, vector<1x128x512xf32>
    %get3A_5 = vector.shape_cast %get3A_4 : vector<1x128x512xf32> to vector<128x512xf32>
    %get3A_6 = arith.constant 0 : index
    %get3A_7 = arith.constant 0 : index
    %get3A_8 = vector.load %arg2[%get3A_6, %get3A_7] : memref<256x128xf32, #tpu.memory_space<vmem>>, vector<256x128xf32>
    %dot_general3A = arith.constant dense<0.000000e+00> : vector<256x512xf32>
    %dot_general3A_9 = tpu.matmul %get3A_8, %get3A_5, %dot_general3A {dimension_numbers = #tpu.dot_dimension_numbers<[1], [0], [0], [1], [0, 0, 1, 1], [], []>, transpose_lhs_hint = false} : vector<256x128xf32>, vector<128x512xf32>, vector<256x512xf32> -> vector<256x512xf32>
    %get3A_10 = arith.constant 0 : index
    %get3A_11 = arith.constant 0 : index
    %get3A_12 = vector.load %arg3[%get3A_10, %get3A_11] : memref<256x1xf32, #tpu.memory_space<vmem>>, vector<256x1xf32>
    %add3A = vector.broadcast %get3A_12 : vector<256x1xf32> to vector<256x512xf32>
    %add3A_13 = arith.addf %dot_general3A_9, %add3A : vector<256x512xf32>
    %mul3A = arith.mulf %add3A_13, %add3A_13 : vector<256x512xf32>
    %reduce_sum3A = arith.constant dense<0.000000e+00> : vector<512xf32>
    %reduce_sum3A_14 = vector.multi_reduction <add>, %mul3A, %reduce_sum3A [0] : vector<256x512xf32> to vector<512xf32>
    %broadcast_in_dim3A = vector.shape_cast %reduce_sum3A_14 : vector<512xf32> to vector<1x512xf32>
    %mul3A_15 = arith.constant -2.000000e+00 : f32
    %mul3A_16 = vector.broadcast %mul3A_15 : f32 to vector<256x512xf32>
    %mul3A_17 = arith.mulf %mul3A_16, %add3A_13 : vector<256x512xf32>
    %get3A_18 = arith.constant 0 : index
    %get3A_19 = arith.constant 0 : index
    %get3A_20 = vector.load %arg4[%get3A_18, %get3A_19] : memref<8192x256xf32, #tpu.memory_space<vmem>>, vector<2048x256xf32>
    %dot_general3A_21 = arith.constant dense<0.000000e+00> : vector<2048x512xf32>
    %dot_general3A_22 = tpu.matmul %get3A_20, %mul3A_17, %dot_general3A_21 {dimension_numbers = #tpu.dot_dimension_numbers<[1], [0], [0], [1], [0, 0, 1, 1], [], []>, transpose_lhs_hint = false} : vector<2048x256xf32>, vector<256x512xf32>, vector<2048x512xf32> -> vector<2048x512xf32>
    %get3A_23 = arith.constant 0 : index
    %get3A_24 = arith.constant 0 : index
    %get3A_25 = vector.load %arg7[%get3A_23, %get3A_24] : memref<8192x1xf32, #tpu.memory_space<vmem>>, vector<2048x1xf32>
    %add3A_26 = vector.broadcast %get3A_25 : vector<2048x1xf32> to vector<2048x512xf32>
    %add3A_27 = arith.addf %dot_general3A_22, %add3A_26 : vector<2048x512xf32>
    %reduce_min3A = arith.constant dense<0x7F800000> : vector<512xf32>
    %reduce_min3A_28 = vector.multi_reduction <minimumf>, %add3A_27, %reduce_min3A [0] : vector<2048x512xf32> to vector<512xf32>
    %broadcast_in_dim3A_29 = vector.shape_cast %reduce_min3A_28 : vector<512xf32> to vector<1x512xf32>
    %argmin3A = tpu.reduce_index %add3A_27 {axis = 0 : i32, kind = #tpu.reduction_kind<arg_min>} : vector<2048x512xf32> -> vector<512xi32>
    %broadcast_in_dim3A_30 = vector.shape_cast %argmin3A : vector<512xi32> to vector<1x512xi32>
    %add3A_31 = arith.constant 0 : i32
    %add3A_32 = vector.broadcast %add3A_31 : i32 to vector<1x512xi32>
    %add3A_33 = arith.addi %broadcast_in_dim3A_30, %add3A_32 : vector<1x512xi32>
    %get3A_34 = arith.constant 2048 : index
    %get3A_35 = arith.constant 0 : index
    %get3A_36 = vector.load %arg4[%get3A_34, %get3A_35] : memref<8192x256xf32, #tpu.memory_space<vmem>>, vector<2048x256xf32>
    %dot_general3A_37 = arith.constant dense<0.000000e+00> : vector<2048x512xf32>
    %dot_general3A_38 = tpu.matmul %get3A_36, %mul3A_17, %dot_general3A_37 {dimension_numbers = #tpu.dot_dimension_numbers<[1], [0], [0], [1], [0, 0, 1, 1], [], []>, transpose_lhs_hint = false} : vector<2048x256xf32>, vector<256x512xf32>, vector<2048x512xf32> -> vector<2048x512xf32>
    %get3A_39 = arith.constant 2048 : index
    %get3A_40 = arith.constant 0 : index
    %get3A_41 = vector.load %arg7[%get3A_39, %get3A_40] : memref<8192x1xf32, #tpu.memory_space<vmem>>, vector<2048x1xf32>
    %add3A_42 = vector.broadcast %get3A_41 : vector<2048x1xf32> to vector<2048x512xf32>
    %add3A_43 = arith.addf %dot_general3A_38, %add3A_42 : vector<2048x512xf32>
    %reduce_min3A_44 = arith.constant dense<0x7F800000> : vector<512xf32>
    %reduce_min3A_45 = vector.multi_reduction <minimumf>, %add3A_43, %reduce_min3A_44 [0] : vector<2048x512xf32> to vector<512xf32>
    %broadcast_in_dim3A_46 = vector.shape_cast %reduce_min3A_45 : vector<512xf32> to vector<1x512xf32>
    %argmin3A_47 = tpu.reduce_index %add3A_43 {axis = 0 : i32, kind = #tpu.reduction_kind<arg_min>} : vector<2048x512xf32> -> vector<512xi32>
    %broadcast_in_dim3A_48 = vector.shape_cast %argmin3A_47 : vector<512xi32> to vector<1x512xi32>
    %add3A_49 = arith.constant 2048 : i32
    %add3A_50 = vector.broadcast %add3A_49 : i32 to vector<1x512xi32>
    %add3A_51 = arith.addi %broadcast_in_dim3A_48, %add3A_50 : vector<1x512xi32>
    %lt3A = arith.cmpf olt, %broadcast_in_dim3A_46, %broadcast_in_dim3A_29 : vector<1x512xf32>
    %select_n3A = arith.select %lt3A, %broadcast_in_dim3A_46, %broadcast_in_dim3A_29 : vector<1x512xi1>, vector<1x512xf32>
    %select_n3A_52 = arith.select %lt3A, %add3A_51, %add3A_33 : vector<1x512xi1>, vector<1x512xi32>
    %get3A_53 = arith.constant 4096 : index
    %get3A_54 = arith.constant 0 : index
    %get3A_55 = vector.load %arg4[%get3A_53, %get3A_54] : memref<8192x256xf32, #tpu.memory_space<vmem>>, vector<2048x256xf32>
    %dot_general3A_56 = arith.constant dense<0.000000e+00> : vector<2048x512xf32>
    %dot_general3A_57 = tpu.matmul %get3A_55, %mul3A_17, %dot_general3A_56 {dimension_numbers = #tpu.dot_dimension_numbers<[1], [0], [0], [1], [0, 0, 1, 1], [], []>, transpose_lhs_hint = false} : vector<2048x256xf32>, vector<256x512xf32>, vector<2048x512xf32> -> vector<2048x512xf32>
    %get3A_58 = arith.constant 4096 : index
    %get3A_59 = arith.constant 0 : index
    %get3A_60 = vector.load %arg7[%get3A_58, %get3A_59] : memref<8192x1xf32, #tpu.memory_space<vmem>>, vector<2048x1xf32>
    %add3A_61 = vector.broadcast %get3A_60 : vector<2048x1xf32> to vector<2048x512xf32>
    %add3A_62 = arith.addf %dot_general3A_57, %add3A_61 : vector<2048x512xf32>
    %reduce_min3A_63 = arith.constant dense<0x7F800000> : vector<512xf32>
    %reduce_min3A_64 = vector.multi_reduction <minimumf>, %add3A_62, %reduce_min3A_63 [0] : vector<2048x512xf32> to vector<512xf32>
    %broadcast_in_dim3A_65 = vector.shape_cast %reduce_min3A_64 : vector<512xf32> to vector<1x512xf32>
    %argmin3A_66 = tpu.reduce_index %add3A_62 {axis = 0 : i32, kind = #tpu.reduction_kind<arg_min>} : vector<2048x512xf32> -> vector<512xi32>
    %broadcast_in_dim3A_67 = vector.shape_cast %argmin3A_66 : vector<512xi32> to vector<1x512xi32>
    %add3A_68 = arith.constant 4096 : i32
    %add3A_69 = vector.broadcast %add3A_68 : i32 to vector<1x512xi32>
    %add3A_70 = arith.addi %broadcast_in_dim3A_67, %add3A_69 : vector<1x512xi32>
    %lt3A_71 = arith.cmpf olt, %broadcast_in_dim3A_65, %select_n3A : vector<1x512xf32>
    %select_n3A_72 = arith.select %lt3A_71, %broadcast_in_dim3A_65, %select_n3A : vector<1x512xi1>, vector<1x512xf32>
    %select_n3A_73 = arith.select %lt3A_71, %add3A_70, %select_n3A_52 : vector<1x512xi1>, vector<1x512xi32>
    %get3A_74 = arith.constant 6144 : index
    %get3A_75 = arith.constant 0 : index
    %get3A_76 = vector.load %arg4[%get3A_74, %get3A_75] : memref<8192x256xf32, #tpu.memory_space<vmem>>, vector<2048x256xf32>
    %dot_general3A_77 = arith.constant dense<0.000000e+00> : vector<2048x512xf32>
    %dot_general3A_78 = tpu.matmul %get3A_76, %mul3A_17, %dot_general3A_77 {dimension_numbers = #tpu.dot_dimension_numbers<[1], [0], [0], [1], [0, 0, 1, 1], [], []>, transpose_lhs_hint = false} : vector<2048x256xf32>, vector<256x512xf32>, vector<2048x512xf32> -> vector<2048x512xf32>
    %get3A_79 = arith.constant 6144 : index
    %get3A_80 = arith.constant 0 : index
    %get3A_81 = vector.load %arg7[%get3A_79, %get3A_80] : memref<8192x1xf32, #tpu.memory_space<vmem>>, vector<2048x1xf32>
    %add3A_82 = vector.broadcast %get3A_81 : vector<2048x1xf32> to vector<2048x512xf32>
    %add3A_83 = arith.addf %dot_general3A_78, %add3A_82 : vector<2048x512xf32>
    %reduce_min3A_84 = arith.constant dense<0x7F800000> : vector<512xf32>
    %reduce_min3A_85 = vector.multi_reduction <minimumf>, %add3A_83, %reduce_min3A_84 [0] : vector<2048x512xf32> to vector<512xf32>
    %broadcast_in_dim3A_86 = vector.shape_cast %reduce_min3A_85 : vector<512xf32> to vector<1x512xf32>
    %argmin3A_87 = tpu.reduce_index %add3A_83 {axis = 0 : i32, kind = #tpu.reduction_kind<arg_min>} : vector<2048x512xf32> -> vector<512xi32>
    %broadcast_in_dim3A_88 = vector.shape_cast %argmin3A_87 : vector<512xi32> to vector<1x512xi32>
    %add3A_89 = arith.constant 6144 : i32
    %add3A_90 = vector.broadcast %add3A_89 : i32 to vector<1x512xi32>
    %add3A_91 = arith.addi %broadcast_in_dim3A_88, %add3A_90 : vector<1x512xi32>
    %lt3A_92 = arith.cmpf olt, %broadcast_in_dim3A_86, %select_n3A_72 : vector<1x512xf32>
    %select_n3A_93 = arith.select %lt3A_92, %broadcast_in_dim3A_86, %select_n3A_72 : vector<1x512xi1>, vector<1x512xf32>
    %select_n3A_94 = arith.select %lt3A_92, %add3A_91, %select_n3A_73 : vector<1x512xi1>, vector<1x512xi32>
    %swap3A = arith.constant 0 : index
    %swap3A_95 = arith.constant 0 : index
    %swap3A_96 = arith.constant 0 : index
    %swap3A_97 = vector.load %arg5[%swap3A, %swap3A_95, %swap3A_96] : memref<1x1x512xi32, #tpu.memory_space<vmem>>, vector<1x1x512xi32>
    %swap3A_98 = vector.shape_cast %swap3A_97 : vector<1x1x512xi32> to vector<1x512xi32>
    %swap3A_99 = vector.shape_cast %select_n3A_94 : vector<1x512xi32> to vector<1x1x512xi32>
    tpu.vector_store %arg5[%swap3A, %swap3A_95, %swap3A_96], %swap3A_99 {strides = array<i32>} : memref<1x1x512xi32, #tpu.memory_space<vmem>>, vector<1x1x512xi32>,
    %add3A_100 = arith.addf %select_n3A_93, %broadcast_in_dim3A : vector<1x512xf32>
    %swap3A_101 = arith.constant 0 : index
    %swap3A_102 = arith.constant 0 : index
    %swap3A_103 = arith.constant 0 : index
    %swap3A_104 = vector.load %arg6[%swap3A_101, %swap3A_102, %swap3A_103] : memref<1x1x512xf32, #tpu.memory_space<vmem>>, vector<1x1x512xf32>
    %swap3A_105 = vector.shape_cast %swap3A_104 : vector<1x1x512xf32> to vector<1x512xf32>
    %swap3A_106 = vector.shape_cast %add3A_100 : vector<1x512xf32> to vector<1x1x512xf32>
    tpu.vector_store %arg6[%swap3A_101, %swap3A_102, %swap3A_103], %swap3A_106 {strides = array<i32>} : memref<1x1x512xf32, #tpu.memory_space<vmem>>, vector<1x1x512xf32>,
    return
  }
  func.func @transform_0(%arg0: i32) -> (i32, i32, i32) {
    %add3A = arith.constant 0 : i32
    %add3A_0 = arith.addi %arg0, %add3A : i32
    %c0_i32 = arith.constant 0 : i32
    %c0_i32_1 = arith.constant 0 : i32
    %c0_i32_2 = arith.constant 0 : i32
    return %add3A_0, %c0_i32, %c0_i32_1 : i32, i32, i32
  }
  func.func @transform_1(%arg0: i32) -> (i32, i32) {
    %c0_i32 = arith.constant 0 : i32
    %c0_i32_0 = arith.constant 0 : i32
    %c0_i32_1 = arith.constant 0 : i32
    return %c0_i32, %c0_i32_0 : i32, i32
  }
  func.func @transform_2(%arg0: i32) -> (i32, i32) {
    %c0_i32 = arith.constant 0 : i32
    %c0_i32_0 = arith.constant 0 : i32
    %c0_i32_1 = arith.constant 0 : i32
    return %c0_i32, %c0_i32_0 : i32, i32
  }
  func.func @transform_3(%arg0: i32) -> (i32, i32) {
    %c0_i32 = arith.constant 0 : i32
    %c0_i32_0 = arith.constant 0 : i32
    %c0_i32_1 = arith.constant 0 : i32
    return %c0_i32, %c0_i32_0 : i32, i32
  }
  func.func @transform_4(%arg0: i32) -> (i32, i32, i32) {
    %c0_i32 = arith.constant 0 : i32
    %c0_i32_0 = arith.constant 0 : i32
    %c0_i32_1 = arith.constant 0 : i32
    return %arg0, %c0_i32, %c0_i32_0 : i32, i32, i32
  }
  func.func @transform_5(%arg0: i32) -> (i32, i32, i32) {
    %c0_i32 = arith.constant 0 : i32
    %c0_i32_0 = arith.constant 0 : i32
    %c0_i32_1 = arith.constant 0 : i32
    return %arg0, %c0_i32, %c0_i32_0 : i32, i32, i32
  }
}

module attributes {stable_mosaic.version = 14 : i64} {
  func.func @_norm_body(%arg0: i32, %arg1: memref<1x512x128xf32, #tpu.memory_space<vmem>>, %arg2: memref<1x128x512xf32, #tpu.memory_space<vmem>>) attributes {dimension_semantics = [#tpu.dimension_semantics<arbitrary>], iteration_bounds = array<i64: 32>, scalar_prefetch = 0 : i64, scratch_operands = 0 : i64, tpu.core_type = #tpu.core_type<tc>, window_params = [{transform_indices = @transform_0, window_bounds = array<i64: 1, 512, 128>}, {transform_indices = @transform_1, window_bounds = array<i64: 1, 128, 512>}]} {
    %get3A = arith.constant 0 : index
    %get3A_0 = arith.constant 0 : index
    %get3A_1 = arith.constant 0 : index
    %get3A_2 = vector.load %arg1[%get3A, %get3A_0, %get3A_1] : memref<1x512x128xf32, #tpu.memory_space<vmem>>, vector<1x512x128xf32>
    %get3A_3 = vector.shape_cast %get3A_2 : vector<1x512x128xf32> to vector<512x128xf32>
    %reduce_min3A = arith.constant dense<0x7F800000> : vector<128xf32>
    %reduce_min3A_4 = vector.multi_reduction <minimumf>, %get3A_3, %reduce_min3A [0] : vector<512x128xf32> to vector<128xf32>
    %broadcast_in_dim3A = vector.shape_cast %reduce_min3A_4 : vector<128xf32> to vector<1x128xf32>
    %sub3A = vector.broadcast %broadcast_in_dim3A : vector<1x128xf32> to vector<512x128xf32>
    %sub3A_5 = arith.subf %get3A_3, %sub3A : vector<512x128xf32>
    %reduce_max3A = arith.constant dense<0xFF800000> : vector<128xf32>
    %reduce_max3A_6 = vector.multi_reduction <maximumf>, %sub3A_5, %reduce_max3A [0] : vector<512x128xf32> to vector<128xf32>
    %broadcast_in_dim3A_7 = vector.shape_cast %reduce_max3A_6 : vector<128xf32> to vector<1x128xf32>
    %add3A = arith.constant 9.99999993E-9 : f32
    %add3A_8 = vector.broadcast %add3A : f32 to vector<1x128xf32>
    %add3A_9 = arith.addf %broadcast_in_dim3A_7, %add3A_8 : vector<1x128xf32>
    %div3A = vector.broadcast %add3A_9 : vector<1x128xf32> to vector<512x128xf32>
    %div3A_10 = arith.divf %sub3A_5, %div3A : vector<512x128xf32>
    %transpose3A = tpu.transpose %div3A_10, [1, 0] : vector<512x128xf32> -> vector<128x512xf32>
    %swap3A = arith.constant 0 : index
    %swap3A_11 = arith.constant 0 : index
    %swap3A_12 = arith.constant 0 : index
    %swap3A_13 = vector.load %arg2[%swap3A, %swap3A_11, %swap3A_12] : memref<1x128x512xf32, #tpu.memory_space<vmem>>, vector<1x128x512xf32>
    %swap3A_14 = vector.shape_cast %swap3A_13 : vector<1x128x512xf32> to vector<128x512xf32>
    %swap3A_15 = vector.shape_cast %transpose3A : vector<128x512xf32> to vector<1x128x512xf32>
    tpu.vector_store %arg2[%swap3A, %swap3A_11, %swap3A_12], %swap3A_15 {strides = array<i32>} : memref<1x128x512xf32, #tpu.memory_space<vmem>>, vector<1x128x512xf32>,
    return
  }
  func.func @transform_0(%arg0: i32) -> (i32, i32, i32) {
    %c0_i32 = arith.constant 0 : i32
    %c0_i32_0 = arith.constant 0 : i32
    %c0_i32_1 = arith.constant 0 : i32
    return %arg0, %c0_i32, %c0_i32_0 : i32, i32, i32
  }
  func.func @transform_1(%arg0: i32) -> (i32, i32, i32) {
    %c0_i32 = arith.constant 0 : i32
    %c0_i32_0 = arith.constant 0 : i32
    %c0_i32_1 = arith.constant 0 : i32
    return %arg0, %c0_i32, %c0_i32_0 : i32, i32, i32
  }
}

</mosaic_0001>

<sc_bundles>
// kernel: kernel.12.cloned.1.call-start
scs
__scs_entry_jumppad:
0x0: {  	(pc) =	sbr.rel $0x88, $3  }
0x1: {  	(tag) =	ssettag $0x0;
	lr =	simm.s32 $0x1  }
0x2: {  	[smem:$0x3F9B] =	sst lr;
	_ =	strace $0xD0000000  }
0x3: {  	_ = 	snop  }
0x4: {  	_ = 	snop  }
0x5: {  	_ = 	snop  }
0x6: {  	_ = 	snop  }
0x7: {  	_ = 	snop  }
__scs_overlays_trampoline_lowered:
0x8: {  	[smem:$0x3FAA] =	sst s0  }
0x9: {  	[smem:$0x3FAB] =	sst s1  }
0xa: {  	[smem:$0x3FAC] =	sst s2  }
0xb: {  	[smem:$0x3FAD] =	sst s3  }
0xc: {  	[smem:$0x3FAE] =	sst s4  }
0xd: {  	[smem:$0x3FAF] =	sst s5  }
0xe: {  	[smem:$0x3FB0] =	sst s6  }
0xf: {  	[smem:$0x3FB1] =	sst s7  }
0x10: {  	[smem:$0x3FB2] =	sst s8  }
0x11: {  	[smem:$0x3FB3] =	sst s9;
	s0 =	simm.s32 @!p0 $0x0  }
0x12: {  	s1 =	sld [smem:$0x3F99];
	s0 =	simm.s32 @p0 $0x1  }
0x13: {  	[smem:$0x3FB4] =	sst s0;
	s0 =	simm.s32 @!p1 $0x0  }
0x14: {  	s2 =	sld [smem:$0x3F98];
	s0 =	simm.s32 @p1 $0x1  }
0x15: {  	[smem:$0x3FB5] =	sst s0;
	s0 =	simm.s32 @!p2 $0x0  }
0x16: {  	s3 =	sld [smem:$0x3FDB];
	s0 =	simm.s32 @p2 $0x1  }
0x17: {  	s4 =	simm.s32 $0x1BF5;
	[smem:$0x3FB7] =	sst s0  }
0x18: {  	s0 =	sld [smem:$0x3F9A];
	_ =	swait.ge [sflag:s4], $0x0  }
0x19: {  	s7 =	sld [smem:$0x3F9B]  }
0x1a: {  	s8 =	sadd.s32 $0xFFFFE003, lr  }
0x1b: {  	s9 =	sadd.s32 $0xFFFFFEF7, lr;
	s5 =	simm.s32 $0xFFFFFFFF;
	p2 =	slt.u32 s8, $0xFFFFF086  }
0x1c: {  	p1 =	slt.u32 s9, $0xF7A;
	s5 =	simm.s32 @!p2 $0x0  }
0x1d: {  	s5 =	simm.s32 @p1 $0x1;
	p0 =	seq.s32 s7, s2  }
0x1e: {  	s7 =	smul.u32 @!p0 $0xF7A, s2;
	p2 =	seq.s32 @!p0 s5, $0x0  }
0x1f: {  	s9 =	smul.u32 $0xF7A, s1;
	s8 =	simm.s32 @!p0 $0x1BF5;
	p2 =	por !p2, p0  }
0x20: {  	[sflag:s8] =	ssyncset.s32 @!p0 $0xFFFFF086;
	s6 =	sadd.s32 @!p0 s3, s7;
	s7 =	simm.s32 @!p0 $0x108  }
0x21: {  	s3 =	sadd.s32 s3, s9;
	s6 =	sadd.s32 @!p0 $0x88, s6;
	s7 =	simm.s32 @p2 $0x1082  }
0x22: {  	[simem:s7], [sflag:s8] =	dma.local @!p0 [hbm:s6], $0xF7A  }
0x23: {  	s9 =	sor.u32 $0xD0000000, s2;
	s6 =	simm.s32 $0x108;
	_ =	swait.ge @!p0 [sflag:s8], $0x0  }
0x24: {  	s3 =	sadd.s32 $0x88, s3;
	s6 =	simm.s32 @!p1 $0x1082;
	[sflag:s4] =	ssyncset.s32 $0xFFFFF086  }
0x25: {  	[simem:s6], [sflag:s4] =	dma.local [hbm:s3], $0xF7A  }
0x26: {  	[smem:$0x3F9B] =	sst s1;
	(tag) =	ssettag s2;
	_ =	strace s9  }
0x27: {  	s1 =	sld [smem:$0x3FAB]  }
0x28: {  	s2 =	sld [smem:$0x3FAC]  }
0x29: {  	s4 =	sld [smem:$0x3FAE]  }
0x2a: {  	p0 =	seq.s32 s5, $0x0;
	s5 =	sld [smem:$0x3FAF]  }
0x2b: {  	s6 =	sld [smem:$0x3FB0]  }
0x2c: {  	s7 =	sld [smem:$0x3FB1]  }
0x2d: {  	s3 =	simm.s32 $0x108;
	s8 =	sld [smem:$0x3FB2]  }
0x2e: {  	s3 =	simm.s32 @!p0 $0x1082;
	s9 =	sld [smem:$0x3FB3]  }
0x2f: {  	lr =	sadd.s32 s0, s3;
	s0 =	sld [smem:$0x3FAA]  }
0x30: {  	s3 =	sld [smem:$0x3FAD]  }
0x31: {  	[smem:$0x3FB6] =	sst s10  }
0x32: {  	s10 =	sld [smem:$0x3FB4];
	_ =	sdelay $0x3  }
0x33: {  	p0 =	seq.s32 s10, $0x1;
	s10 =	sld [smem:$0x3FB6];
	_ =	sdelay $0x3  }
0x34: {  	[smem:$0x3FB6] =	sst s10  }
0x35: {  	s10 =	sld [smem:$0x3FB5];
	_ =	sdelay $0x3  }
0x36: {  	p1 =	seq.s32 s10, $0x1;
	s10 =	sld [smem:$0x3FB6];
	_ =	sdelay $0x3  }
0x37: {  	[smem:$0x3FB6] =	sst s10  }
0x38: {  	s10 =	sld [smem:$0x3FB7]  }
0x39: {  	_ = 	snop;
	(pc) =	sbr.ind lr, $3  }
0x3a: {  	_ = 	snop  }
0x3b: {  	_ = 	snop  }
0x3c: {  	p2 =	seq.s32 s10, $0x1;
	s10 =	sld [smem:$0x3FB6]  }
0x3d: {  	_ =	shalt  }
0x3e: {  	_ =	shalt  }
0x3f: {  	_ =	shalt  }
0x40: {  	_ =	shalt  }
0x41: {  	_ =	shalt  }
0x42: {  	_ =	shalt  }
0x43: {  	_ =	shalt  }
0x44: {  	_ =	shalt  }
0x45: {  	_ =	shalt  }
0x46: {  	_ =	shalt  }
0x47: {  	_ =	shalt  }
0x48: {  	_ =	shalt  }
0x49: {  	_ =	shalt  }
0x4a: {  	_ =	shalt  }
0x4b: {  	_ =	shalt  }
0x4c: {  	_ =	shalt  }
0x4d: {  	_ =	shalt  }
0x4e: {  	_ =	shalt  }
0x4f: {  	_ =	shalt  }
0x50: {  	_ =	shalt  }
0x51: {  	_ =	shalt  }
0x52: {  	_ =	shalt  }
0x53: {  	_ =	shalt  }
0x54: {  	_ =	shalt  }
0x55: {  	_ =	shalt  }
0x56: {  	_ =	shalt  }
0x57: {  	_ =	shalt  }
0x58: {  	_ =	shalt  }
0x59: {  	_ =	shalt  }
0x5a: {  	_ =	shalt  }
0x5b: {  	_ =	shalt  }
0x5c: {  	_ =	shalt  }
0x5d: {  	_ =	shalt  }
0x5e: {  	_ =	shalt  }
0x5f: {  	_ =	shalt  }
0x60: {  	_ =	shalt  }
0x61: {  	_ =	shalt  }
0x62: {  	_ =	shalt  }
0x63: {  	_ =	shalt  }
0x64: {  	_ =	shalt  }
0x65: {  	_ =	shalt  }
0x66: {  	_ =	shalt  }
0x67: {  	_ =	shalt  }
0x68: {  	_ =	shalt  }
0x69: {  	_ =	shalt  }
0x6a: {  	_ =	shalt  }
0x6b: {  	_ =	shalt  }
0x6c: {  	_ =	shalt  }
0x6d: {  	_ =	shalt  }
0x6e: {  	_ =	shalt  }
0x6f: {  	_ =	shalt  }
0x70: {  	_ =	shalt  }
0x71: {  	_ =	shalt  }
0x72: {  	_ =	shalt  }
0x73: {  	_ =	shalt  }
0x74: {  	_ =	shalt  }
0x75: {  	_ =	shalt  }
0x76: {  	_ =	shalt  }
0x77: {  	_ =	shalt  }
0x78: {  	_ =	shalt  }
0x79: {  	_ =	shalt  }
0x7a: {  	_ =	shalt  }
0x7b: {  	_ =	shalt  }
0x7c: {  	_ =	shalt  }
0x7d: {  	_ =	shalt  }
0x7e: {  	_ =	shalt  }
0x7f: {  	_ =	shalt  }
0x80: {  	_ =	shalt  }
0x81: {  	_ =	shalt  }
0x82: {  	_ =	shalt  }
0x83: {  	_ =	shalt  }
0x84: {  	_ =	shalt  }
0x85: {  	_ =	shalt  }
0x86: {  	_ =	shalt  }
0x87: {  	_ =	shalt  }
.Lfunc_end0:
.L_simem_size_0:
called_computation.1_lowered:
.L_overlay_start_0:
0x88: {  	s2 =	sld [smem:$0x3FD9]  }
0x89: {  	s3 =	sld [smem:$0x3FFE];
	_ =	sdelay $0x1  }
0x8a: {  	s1 =	srdreg.scid  }
0x8b: {  	s0 =	sand.u32 $0x1, s1  }
0x8c: {  	s16 =	sshll.u32 s0, $0xA;
	s2 =	sadd.s32 s3, s2  }
0x8d: {  	s2 =	sadd.s32 s2, s16  }
0x8e: {  	[smem:$0x3FC2] =	sst s2  }
0x8f: {  	_ = 	snop  }
0x90: {  	(tm) =	ssettm $0x1  }
0x91: {  	s17 =	sld [smem:$0x3FFB];
	_ =	sdelay $0x3  }
0x92: {  	_ =	strace s17  }
0x93: {  	s2 =	sld [smem:$0x3FFC];
	_ =	sdelay $0x3  }
0x94: {  	_ =	strace s2  }
0x95: {  	s2 =	sld [smem:$0x3FFD];
	_ =	sdelay $0x3  }
0x96: {  	_ =	strace s2  }
0x97: {  	_ =	strace $0x8FFFFFFF  }
0x98: {  	s18 =	sld [smem:$0x3FDB];
	_ =	sdelay $0x1  }
0x99: {  	s19 =	simm.s32 $_scs_section_size  }
0x9a: {  	s4 =	simm.s32 $_size__tile_overlayer_lowered;
	s5 =	simm.s32 $_tile_overlayer_lowered  }
0x9b: {  	s22 =	simm.s32 $0x1BFF;
	s21 =	sshll.u32 s5, $0x1;
	s2 =	sadd.s32 s19, s18  }
0x9c: {  	s6 =	simm.s32 $0x0;
	s20 =	sshll.u32 s4, $0x1;
	s4 =	sadd.s32 s21, s2  }
0x9d: {  	[timem:s6], [sflag:s22] =	dma.local [hbm:s4], s20  }
0x9e: {  	_ =	swait.ge [sflag:s22], s20  }
0x9f: {  	s3 =	ssub.s32 $0x0, s20;
	[sflag:s22] =	ssyncset.done $0x0  }
0xa0: {  	[sflag:s22] =	ssyncadd.s32 s3;
	_ =	sdelay $0x1  }
0xa1: {  	s23 =	simm.s32 $0x1B8B  }
0xa2: {  	_ =	swait.ge [sflag:s23], $0x1  }
0xa3: {  	[sflag:s23] =	ssyncset.done $0x0  }
0xa4: {  	s25 =	simm.s32 $0x1B8E;
	s24 =	sld [smem:$0x3FFE];
	[sflag:s23] =	ssyncadd.s32 $0xFFFFFFFF  }
0xa5: {  	s26 =	simm.s32 $execute0_lowered;
	[smem:$0x3FD2] =	sst s25  }
0xa6: {  	s4 =	sshll.u32 s26, $0x1;
	_ =	strace $0x80000046;
	[dreg:$0x1] =	wrdreg $0xFFFFFFFF  }
0xa7: {  	s28 =	simm.s32 $_size_execute0_lowered;
	s2 =	sadd.s32 s2, s4;
	[dreg:$0x0] =	wrdreg $0x0  }
0xa8: {  	s4 =	sshll.u32 s28, $0x1;
	[dreg:$0x2] =	wrdreg s2  }
0xa9: {  	[dreg:$0x3] =	wrdreg s4  }
0xaa: {  	[dreg:$0x4] =	wrdreg $0xC0  }
0xab: {  	_ =	task [dreg:s6], $0x5FFFF  }
0xac: {  	[dreg:$0x1] =	wrdreg $0xFFFFFFFF  }
0xad: {  	[dreg:$0x0] =	wrdreg $0x60  }
0xae: {  	[dreg:$0x2] =	wrdreg s24  }
0xaf: {  	[dreg:$0x3] =	wrdreg $0xA  }
0xb0: {  	_ =	task.clear_ibuf [dreg:s6], $0x4FFFF;
	_ =	strace $0x90000046  }
0xb1: {  	s29 =	simm.s32 $0xA;
	_ =	strace $0x80000048  }
0xb2: {  	_ =	swait.ge [sflag:s29], $0x1  }
0xb3: {  	[sflag:s29] =	ssyncadd.s32 $0xFFFFFFFF  }
0xb4: {  	_ =	strace $0x90000048  }
0xb5: {  	_ =	sfence  }
0xb6: {  	s30 =	sld [smem:$0x0];
	_ =	sdelay $0x2  }
0xb7: {  	s31 =	sshll.u32 s1, $0xD;
	s1 =	sshrl.u32 s1, $0x2  }
0xb8: {  	s3 =	sand.u32 $0x4000, s31;
	s1 =	sadd.s32 s1, s30  }
0xb9: {  	s0 =	sor.u32 s3, s0;
	s1 =	sshll.u32 s1, $0x11  }
0xba: {  	s0 =	sor.u32 s1, s0  }
0xbb: {  	s0 =	sadd.s32 $0x8F2B, s0  }
0xbc: {  	[sflag:s0] =	ssyncadd.remote.s32 $0x1  }
0xbd: {  	_ =	sfence.sel $0xFFFF  }
0xbe: {  	[dreg:$0x0] =	wrdreg $0xFFFFFFFF;
	(pc) =	sbr.abs _section_cstart, $3  }
0xbf: {  	[dreg:$0x1] =	wrdreg $0xFFFFFFFF  }
0xc0: {  	_ =	task.clear_ibuf [dreg:s6], $0x2FFFF;
	_ =	strace $0x9FFFFFFF  }
0xc1: {  	(tm) =	ssettm $0x7FFFFFFF  }
tec
execute0_lowered:
.L_overlay_start_1:
0x0: {  	(tag) =	ssettag $0x1  }
0x1: {  	s1 =	srdreg.scid  }
0x2: {  	s0 =	stileid.u32;
	s11 =	sand.u32 $0x1, s1  }
0x3: {  	s31 =	sshll.u32 s0, $0xA;
	s2 =	sshll.u32 s11, $0x9  }
0x4: {  	s10 =	sor.u32 s2, s31  }
0x5: {  	s9 =	rddreg [dreg:$0x0];
	s2 =	simm.s32 $0x0;
	s3 =	sshrl.u32 s10, $0x3  }
0x6: {  	s4 =	simm.s32 $0x3;
	[smem:$0x7FF] =	sst s2;
	s3 =	sadd.s32 s3, s9  }
0x7: {  	s1 =	rddreg [dreg:$0x1];
	_ =	strace $0x80000047;
	s3 =	sadd.s32 $0x21600, s3  }
0x8: {  	[tilespmem:s2], [sflag:$0x3] =	stream.linear.gather [hbm4b:s3+s2], $0x200, $0x38;
	[tilespmem:$0x10200] =	vst v63  }
0x9: {  	_ =	swait.ge [sflag:s4], $0x200  }
0xa: {  	s6 =	simm.s32 $0x100;
	s7 =	simm.s32 $0x200;
	[sflag:s4] =	ssyncset.done $0x0  }
0xb: {  	s8 =	simm.s32 $0x1;
	s5 =	sadd.s32 $0x1600, s9;
	[sflag:s4] =	ssyncadd.s32 $0xFFFFFE00  }
0xc: {  	[tilespmem:s7], [sflag:$0x1] =	stream.indirect.gather [hbm4b:s5+s6], $0x80, s2, s6, $0xb8;
	[tilespmem:$0x10200] =	vst v63  }
0xd: {  	_ =	swait.ge [sflag:s8], $0x8000  }
0xe: {  	s13 =	ssub.s32 $0x2, s11;
	s10 =	sshll.u32 s10, $0x4;
	[sflag:s8] =	ssyncset.done $0x0  }
0xf: {  	s12 =	sadd.s32 s10, s9;
	s9 =	simm.s32 $0x8200;
	[sflag:s8] =	ssyncadd.s32 $0xFFFF8000  }
0x10: {  	[tilespmem:s9], [sflag:$0x1] =	stream.indirect.gather [hbm4b:s5+s6], $0x80, s6, s6, $0xb8;
	[tilespmem:$0x10200] =	vst v63  }
0x11: {  	s14 =	sshrl.u32 s13, $0x1;
	s10 =	sadd.s32 $0x21E00, s12  }
0x12: {  	[hbm4b:s10+s2] =	stream.linear.scatter [tilespmem:s7], [sflag:$0x2], $0x8000, $0x38;
	[tilespmem:$0x10200] =	vst v63  }
0x13: {  	s13 =	ssub.s32 s13, s14;
	_ =	swait.ge [sflag:s8], $0x8000  }
0x14: {  	s11 =	simm.s32 $0x2;
	s13 =	smax.u32 s13, $0x1;
	[sflag:s8] =	ssyncset.done $0x0  }
0x15: {  	s12 =	sadd.s32 $0x22E00, s12;
	p0 =	sne.s32 s13, $0x1;
	[sflag:s8] =	ssyncadd.s32 $0xFFFF8000  }
0x16: {  	[hbm4b:s12+s2] =	stream.linear.scatter [tilespmem:s9], [sflag:$0x2], $0x8000, $0x38;
	[tilespmem:$0x10200] =	vst v63  }
.Ltmp0:
0x17: {  	_ =	swait.ge [sflag:s11], $0x8000;
	(pc) =	sbr.rel @!p0 .LBB2_2-.Ltmp0, $4  }
0x18: {  	[sflag:s11] =	ssyncset.done $0x0  }
0x19: {  	[sflag:s11] =	ssyncadd.s32 $0xFFFF8000  }
0x1a: {  	_ =	swait.ge [sflag:s11], $0x8000  }
0x1b: {  	s13 =	sadd.s32 $0xFFFFFFFF, s13;
	[sflag:s11] =	ssyncset.done $0x0  }
.LBB2_1:
0x1c: {  	p0 =	sne.s32 s13, $0x1;
	s13 =	sadd.s32 $0xFFFFFFFF, s13;
	[sflag:s11] =	ssyncadd.s32 $0xFFFF8000  }
0x1d: {  	[tilespmem:s2], [sflag:$0x3] =	stream.linear.gather [hbm4b:s3+s2], $0x200, $0x38;
	[tilespmem:$0x10200] =	vst v63  }
0x1e: {  	_ =	swait.ge [sflag:s4], $0x200  }
0x1f: {  	[sflag:s4] =	ssyncset.done $0x0  }
0x20: {  	[sflag:s4] =	ssyncadd.s32 $0xFFFFFE00  }
0x21: {  	[tilespmem:s7], [sflag:$0x1] =	stream.indirect.gather [hbm4b:s5+s6], $0x80, s2, s6, $0xb8;
	[tilespmem:$0x10200] =	vst v63  }
0x22: {  	_ =	swait.ge [sflag:s8], $0x8000  }
0x23: {  	[sflag:s8] =	ssyncset.done $0x0  }
0x24: {  	[sflag:s8] =	ssyncadd.s32 $0xFFFF8000  }
0x25: {  	[tilespmem:s9], [sflag:$0x1] =	stream.indirect.gather [hbm4b:s5+s6], $0x80, s6, s6, $0xb8;
	[tilespmem:$0x10200] =	vst v63  }
0x26: {  	_ = 	snop  }
0x27: {  	[hbm4b:s10+s2] =	stream.linear.scatter [tilespmem:s7], [sflag:$0x2], $0x8000, $0x38;
	[tilespmem:$0x10200] =	vst v63  }
0x28: {  	_ =	swait.ge [sflag:s8], $0x8000  }
0x29: {  	[sflag:s8] =	ssyncset.done $0x0  }
0x2a: {  	[sflag:s8] =	ssyncadd.s32 $0xFFFF8000  }
0x2b: {  	[hbm4b:s12+s2] =	stream.linear.scatter [tilespmem:s9], [sflag:$0x2], $0x8000, $0x38;
	[tilespmem:$0x10200] =	vst v63  }
.Ltmp1:
0x2c: {  	_ =	swait.ge [sflag:s11], $0x8000;
	(pc) =	sbr.rel @p0 .LBB2_1-.Ltmp1, $4  }
0x2d: {  	[sflag:s11] =	ssyncset.done $0x0  }
0x2e: {  	[sflag:s11] =	ssyncadd.s32 $0xFFFF8000  }
0x2f: {  	_ =	swait.ge [sflag:s11], $0x8000  }
0x30: {  	[sflag:s11] =	ssyncset.done $0x0  }
.LBB2_2:
0x31: {  	[sflag:s11] =	ssyncadd.s32 $0xFFFF8000  }
0x32: {  	_ =	sfence.sel $0x180000  }
0x33: {  	[bflag:$0x0] =	sbarrier.arrive $0xFFFF  }
0x34: {  	p0 =	sne.s32 s0, $0x0;
	_ =	strace $0x90000047  }
0x35: {  	s0 =	sadd.s32 @!p0 $0x100000, s1;
	[bflag:$0x2] =	sbarrier.arrive $0xFFFF  }
0x36: {  	[sflag:s0] =	ssyncadd.tile.s32 @!p0 $0x1;
	_ =	shalt  }
.Lfunc_end2:
_tile_overlayer_lowered:
.L_overlay_start_2:
0x37: {  	(tag) =	ssettag $0x2  }
0x38: {  	s0 =	rddreg [dreg:$0x0];
	s2 =	stileid.u32  }
0x39: {  	s1 =	rddreg [dreg:$0x1];
	p0 =	sne.s32 s2, $0x0  }
0x3a: {  	s3 =	rddreg [dreg:$0x2];
	[bflag:$0x3] =	sbarrier.arrive $0xFFFF;
	s2 =	simm.s32 @!p0 $0x1C03  }
0x3b: {  	[timem:s3], [sflag:s2] =	dma.local @!p0 [hbm:s0], s1  }
0x3c: {  	s0 =	simm.s32 @!p0 $0x3  }
0x3d: {  	_ =	swait.ge @!p0 [sflag:s0], s1  }
0x3e: {  	s1 =	ssub.s32 @!p0 $0x0, s1;
	[sflag:s0] =	ssyncset.done @!p0 $0x0  }
0x3f: {  	[sflag:s0] =	ssyncadd.s32 @!p0 s1  }
0x40: {  	[bflag:$0x3] =	sbarrier.arrive $0xFFFF  }
0x41: {  	_ =	shalt  }

// kernel: kernel.9.cloned.1.call-start
scs
__scs_entry_jumppad:
0x0: {  	(pc) =	sbr.rel $0x88, $3  }
0x1: {  	(tag) =	ssettag $0x0;
	lr =	simm.s32 $0x1  }
0x2: {  	[smem:$0x3F9B] =	sst lr;
	_ =	strace $0xD0000000  }
0x3: {  	_ = 	snop  }
0x4: {  	_ = 	snop  }
0x5: {  	_ = 	snop  }
0x6: {  	_ = 	snop  }
0x7: {  	_ = 	snop  }
__scs_overlays_trampoline_lowered:
0x8: {  	[smem:$0x3FAA] =	sst s0  }
0x9: {  	[smem:$0x3FAB] =	sst s1  }
0xa: {  	[smem:$0x3FAC] =	sst s2  }
0xb: {  	[smem:$0x3FAD] =	sst s3  }
0xc: {  	[smem:$0x3FAE] =	sst s4  }
0xd: {  	[smem:$0x3FAF] =	sst s5  }
0xe: {  	[smem:$0x3FB0] =	sst s6  }
0xf: {  	[smem:$0x3FB1] =	sst s7  }
0x10: {  	[smem:$0x3FB2] =	sst s8  }
0x11: {  	[smem:$0x3FB3] =	sst s9;
	s0 =	simm.s32 @!p0 $0x0  }
0x12: {  	s1 =	sld [smem:$0x3F99];
	s0 =	simm.s32 @p0 $0x1  }
0x13: {  	[smem:$0x3FB4] =	sst s0;
	s0 =	simm.s32 @!p1 $0x0  }
0x14: {  	s2 =	sld [smem:$0x3F98];
	s0 =	simm.s32 @p1 $0x1  }
0x15: {  	[smem:$0x3FB5] =	sst s0;
	s0 =	simm.s32 @!p2 $0x0  }
0x16: {  	s3 =	sld [smem:$0x3FDB];
	s0 =	simm.s32 @p2 $0x1  }
0x17: {  	s4 =	simm.s32 $0x1BF5;
	[smem:$0x3FB7] =	sst s0  }
0x18: {  	s0 =	sld [smem:$0x3F9A];
	_ =	swait.ge [sflag:s4], $0x0  }
0x19: {  	s7 =	sld [smem:$0x3F9B]  }
0x1a: {  	s8 =	sadd.s32 $0xFFFFE003, lr  }
0x1b: {  	s9 =	sadd.s32 $0xFFFFFEF7, lr;
	s5 =	simm.s32 $0xFFFFFFFF;
	p2 =	slt.u32 s8, $0xFFFFF086  }
0x1c: {  	p1 =	slt.u32 s9, $0xF7A;
	s5 =	simm.s32 @!p2 $0x0  }
0x1d: {  	s5 =	simm.s32 @p1 $0x1;
	p0 =	seq.s32 s7, s2  }
0x1e: {  	s7 =	smul.u32 @!p0 $0xF7A, s2;
	p2 =	seq.s32 @!p0 s5, $0x0  }
0x1f: {  	s9 =	smul.u32 $0xF7A, s1;
	s8 =	simm.s32 @!p0 $0x1BF5;
	p2 =	por !p2, p0  }
0x20: {  	[sflag:s8] =	ssyncset.s32 @!p0 $0xFFFFF086;
	s6 =	sadd.s32 @!p0 s3, s7;
	s7 =	simm.s32 @!p0 $0x108  }
0x21: {  	s3 =	sadd.s32 s3, s9;
	s6 =	sadd.s32 @!p0 $0x88, s6;
	s7 =	simm.s32 @p2 $0x1082  }
0x22: {  	[simem:s7], [sflag:s8] =	dma.local @!p0 [hbm:s6], $0xF7A  }
0x23: {  	s9 =	sor.u32 $0xD0000000, s2;
	s6 =	simm.s32 $0x108;
	_ =	swait.ge @!p0 [sflag:s8], $0x0  }
0x24: {  	s3 =	sadd.s32 $0x88, s3;
	s6 =	simm.s32 @!p1 $0x1082;
	[sflag:s4] =	ssyncset.s32 $0xFFFFF086  }
0x25: {  	[simem:s6], [sflag:s4] =	dma.local [hbm:s3], $0xF7A  }
0x26: {  	[smem:$0x3F9B] =	sst s1;
	(tag) =	ssettag s2;
	_ =	strace s9  }
0x27: {  	s1 =	sld [smem:$0x3FAB]  }
0x28: {  	s2 =	sld [smem:$0x3FAC]  }
0x29: {  	s4 =	sld [smem:$0x3FAE]  }
0x2a: {  	p0 =	seq.s32 s5, $0x0;
	s5 =	sld [smem:$0x3FAF]  }
0x2b: {  	s6 =	sld [smem:$0x3FB0]  }
0x2c: {  	s7 =	sld [smem:$0x3FB1]  }
0x2d: {  	s3 =	simm.s32 $0x108;
	s8 =	sld [smem:$0x3FB2]  }
0x2e: {  	s3 =	simm.s32 @!p0 $0x1082;
	s9 =	sld [smem:$0x3FB3]  }
0x2f: {  	lr =	sadd.s32 s0, s3;
	s0 =	sld [smem:$0x3FAA]  }
0x30: {  	s3 =	sld [smem:$0x3FAD]  }
0x31: {  	[smem:$0x3FB6] =	sst s10  }
0x32: {  	s10 =	sld [smem:$0x3FB4];
	_ =	sdelay $0x3  }
0x33: {  	p0 =	seq.s32 s10, $0x1;
	s10 =	sld [smem:$0x3FB6];
	_ =	sdelay $0x3  }
0x34: {  	[smem:$0x3FB6] =	sst s10  }
0x35: {  	s10 =	sld [smem:$0x3FB5];
	_ =	sdelay $0x3  }
0x36: {  	p1 =	seq.s32 s10, $0x1;
	s10 =	sld [smem:$0x3FB6];
	_ =	sdelay $0x3  }
0x37: {  	[smem:$0x3FB6] =	sst s10  }
0x38: {  	s10 =	sld [smem:$0x3FB7]  }
0x39: {  	_ = 	snop;
	(pc) =	sbr.ind lr, $3  }
0x3a: {  	_ = 	snop  }
0x3b: {  	_ = 	snop  }
0x3c: {  	p2 =	seq.s32 s10, $0x1;
	s10 =	sld [smem:$0x3FB6]  }
0x3d: {  	_ =	shalt  }
0x3e: {  	_ =	shalt  }
0x3f: {  	_ =	shalt  }
0x40: {  	_ =	shalt  }
0x41: {  	_ =	shalt  }
0x42: {  	_ =	shalt  }
0x43: {  	_ =	shalt  }
0x44: {  	_ =	shalt  }
0x45: {  	_ =	shalt  }
0x46: {  	_ =	shalt  }
0x47: {  	_ =	shalt  }
0x48: {  	_ =	shalt  }
0x49: {  	_ =	shalt  }
0x4a: {  	_ =	shalt  }
0x4b: {  	_ =	shalt  }
0x4c: {  	_ =	shalt  }
0x4d: {  	_ =	shalt  }
0x4e: {  	_ =	shalt  }
0x4f: {  	_ =	shalt  }
0x50: {  	_ =	shalt  }
0x51: {  	_ =	shalt  }
0x52: {  	_ =	shalt  }
0x53: {  	_ =	shalt  }
0x54: {  	_ =	shalt  }
0x55: {  	_ =	shalt  }
0x56: {  	_ =	shalt  }
0x57: {  	_ =	shalt  }
0x58: {  	_ =	shalt  }
0x59: {  	_ =	shalt  }
0x5a: {  	_ =	shalt  }
0x5b: {  	_ =	shalt  }
0x5c: {  	_ =	shalt  }
0x5d: {  	_ =	shalt  }
0x5e: {  	_ =	shalt  }
0x5f: {  	_ =	shalt  }
0x60: {  	_ =	shalt  }
0x61: {  	_ =	shalt  }
0x62: {  	_ =	shalt  }
0x63: {  	_ =	shalt  }
0x64: {  	_ =	shalt  }
0x65: {  	_ =	shalt  }
0x66: {  	_ =	shalt  }
0x67: {  	_ =	shalt  }
0x68: {  	_ =	shalt  }
0x69: {  	_ =	shalt  }
0x6a: {  	_ =	shalt  }
0x6b: {  	_ =	shalt  }
0x6c: {  	_ =	shalt  }
0x6d: {  	_ =	shalt  }
0x6e: {  	_ =	shalt  }
0x6f: {  	_ =	shalt  }
0x70: {  	_ =	shalt  }
0x71: {  	_ =	shalt  }
0x72: {  	_ =	shalt  }
0x73: {  	_ =	shalt  }
0x74: {  	_ =	shalt  }
0x75: {  	_ =	shalt  }
0x76: {  	_ =	shalt  }
0x77: {  	_ =	shalt  }
0x78: {  	_ =	shalt  }
0x79: {  	_ =	shalt  }
0x7a: {  	_ =	shalt  }
0x7b: {  	_ =	shalt  }
0x7c: {  	_ =	shalt  }
0x7d: {  	_ =	shalt  }
0x7e: {  	_ =	shalt  }
0x7f: {  	_ =	shalt  }
0x80: {  	_ =	shalt  }
0x81: {  	_ =	shalt  }
0x82: {  	_ =	shalt  }
0x83: {  	_ =	shalt  }
0x84: {  	_ =	shalt  }
0x85: {  	_ =	shalt  }
0x86: {  	_ =	shalt  }
0x87: {  	_ =	shalt  }
.Lfunc_end0:
.L_simem_size_0:
called_computation_lowered:
.L_overlay_start_0:
0x88: {  	s2 =	sld [smem:$0x3FD9]  }
0x89: {  	s3 =	sld [smem:$0x3FFE];
	_ =	sdelay $0x1  }
0x8a: {  	s1 =	srdreg.scid  }
0x8b: {  	s0 =	sand.u32 $0x1, s1  }
0x8c: {  	s15 =	sshll.u32 s0, $0xA;
	s2 =	sadd.s32 s3, s2  }
0x8d: {  	s2 =	sadd.s32 s2, s15  }
0x8e: {  	[smem:$0x3FC2] =	sst s2  }
0x8f: {  	_ = 	snop  }
0x90: {  	s2 =	sld [smem:$0x3FD0];
	_ =	sdelay $0x2  }
0x91: {  	s16 =	simm.s32 $0xB;
	s4 =	simm.s32 $0x10  }
0x92: {  	[smem:s4], [sflag:s16] =	dma.local [hbm:s2], $0x1  }
0x93: {  	_ =	swait.eq [sflag:s16], $0x1  }
0x94: {  	[sflag:s16] =	ssyncset.done $0x0  }
0x95: {  	[sflag:s16] =	ssyncadd.s32 $0xFFFFFFFF  }
0x96: {  	s17 =	sld [smem:$0x10];
	(tm) =	ssettm $0x1  }
0x97: {  	s18 =	sld [smem:$0x3FFB];
	_ =	sdelay $0x3  }
0x98: {  	_ =	strace s18  }
0x99: {  	s2 =	sld [smem:$0x3FFC];
	_ =	sdelay $0x3  }
0x9a: {  	_ =	strace s2  }
0x9b: {  	s2 =	sld [smem:$0x3FFD];
	_ =	sdelay $0x3  }
0x9c: {  	_ =	strace s2  }
0x9d: {  	_ =	strace $0x8FFFFFFF  }
0x9e: {  	s19 =	sld [smem:$0x3FDB];
	_ =	sdelay $0x1  }
0x9f: {  	s20 =	simm.s32 $_scs_section_size  }
0xa0: {  	s5 =	simm.s32 $_size__tile_overlayer_lowered;
	s6 =	simm.s32 $_tile_overlayer_lowered  }
0xa1: {  	s7 =	simm.s32 $0x1BFF;
	s21 =	sshll.u32 s6, $0x1;
	s4 =	sadd.s32 s20, s19  }
0xa2: {  	s22 =	simm.s32 $0x0;
	s5 =	sshll.u32 s5, $0x1;
	s6 =	sadd.s32 s21, s4  }
0xa3: {  	[timem:s22], [sflag:s7] =	dma.local [hbm:s6], s5  }
0xa4: {  	_ =	swait.ge [sflag:s7], s5  }
0xa5: {  	s5 =	ssub.s32 $0x0, s5;
	[sflag:s7] =	ssyncset.done $0x0  }
0xa6: {  	[sflag:s7] =	ssyncadd.s32 s5;
	_ =	sdelay $0x1  }
0xa7: {  	s23 =	simm.s32 $0x1B8B  }
0xa8: {  	_ =	swait.ge [sflag:s23], $0x1  }
0xa9: {  	[sflag:s23] =	ssyncset.done $0x0  }
0xaa: {  	[sflag:s23] =	ssyncadd.s32 $0xFFFFFFFF  }
0xab: {  	s5 =	sld [smem:$0x0]  }
0xac: {  	s6 =	sand.u32 $0xFFFFFFFE, s1  }
0xad: {  	p0 =	sne.s32 s1, s6  }
0xae: {  	s6 =	sshll.u32 @p0 s6, $0xE  }
0xaf: {  	s6 =	sadd.s32 @p0 $0x11B8D, s6;
	s7 =	sshll.u32 @p0 s5, $0x11  }
0xb0: {  	s6 =	sor.u32 @p0 s7, s6  }
0xb1: {  	[sflag:s6] =	ssyncadd.remote.s32 @p0 $0x1;
	_ =	sdelay $0x1  }
0xb2: {  	s6 =	simm.s32 @p0 $0x1B8D  }
0xb3: {  	_ =	swait.eq @p0 [sflag:s6], $0x1  }
0xb4: {  	[sflag:s6] =	ssyncadd.s32 @p0 $0xFFFFFFFF  }
0xb5: {  	s7 =	sshll.u32 @!p0 s1, $0xE  }
0xb6: {  	s7 =	sor.u32 @!p0 $0x4000, s7;
	s6 =	simm.s32 @!p0 $0x1B8D  }
0xb7: {  	s5 =	sshll.u32 @!p0 s5, $0x11;
	s7 =	sadd.s32 @!p0 $0x11B8D, s7;
	_ =	swait.eq @!p0 [sflag:s6], $0x1  }
0xb8: {  	s5 =	sor.u32 @!p0 s5, s7;
	[sflag:s6] =	ssyncadd.s32 @!p0 $0xFFFFFFFF  }
0xb9: {  	s25 =	simm.s32 $0x1B8E;
	s24 =	sld [smem:$0x3FFE];
	[sflag:s5] =	ssyncadd.remote.s32 @!p0 $0x1  }
0xba: {  	s26 =	simm.s32 $execute0_lowered;
	[smem:$0x3FD2] =	sst s25  }
0xbb: {  	s6 =	sshll.u32 s26, $0x1;
	_ =	strace $0x80000049;
	[dreg:$0x1] =	wrdreg $0xFFFFFFFF  }
0xbc: {  	s28 =	simm.s32 $_size_execute0_lowered;
	s4 =	sadd.s32 s4, s6;
	[dreg:$0x0] =	wrdreg $0x0  }
0xbd: {  	s6 =	sshll.u32 s28, $0x1;
	[dreg:$0x2] =	wrdreg s4  }
0xbe: {  	[dreg:$0x3] =	wrdreg s6  }
0xbf: {  	[dreg:$0x4] =	wrdreg $0xC0  }
0xc0: {  	_ =	task [dreg:s22], $0x5FFFF  }
0xc1: {  	[dreg:$0x1] =	wrdreg $0xFFFFFFFF  }
0xc2: {  	[dreg:$0x0] =	wrdreg $0x60  }
0xc3: {  	[dreg:$0x2] =	wrdreg s24  }
0xc4: {  	[dreg:$0x3] =	wrdreg s17  }
0xc5: {  	[dreg:$0x4] =	wrdreg $0x9  }
0xc6: {  	_ =	task.clear_ibuf [dreg:s22], $0x5FFFF;
	_ =	strace $0x90000049  }
0xc7: {  	s29 =	simm.s32 $0x9;
	_ =	strace $0x8000004B  }
0xc8: {  	_ =	swait.ge [sflag:s29], $0x1  }
0xc9: {  	[sflag:s29] =	ssyncadd.s32 $0xFFFFFFFF  }
0xca: {  	_ =	strace $0x9000004B  }
0xcb: {  	_ =	sfence  }
0xcc: {  	s30 =	sld [smem:$0x0];
	_ =	sdelay $0x2  }
0xcd: {  	s31 =	sshll.u32 s1, $0xD;
	s1 =	sshrl.u32 s1, $0x2  }
0xce: {  	s4 =	sand.u32 $0x4000, s31;
	s1 =	sadd.s32 s1, s30  }
0xcf: {  	s0 =	sor.u32 s4, s0;
	s1 =	sshll.u32 s1, $0x11  }
0xd0: {  	s0 =	sor.u32 s1, s0  }
0xd1: {  	s0 =	sadd.s32 $0x8F2B, s0  }
0xd2: {  	[sflag:s0] =	ssyncadd.remote.s32 $0x1  }
0xd3: {  	_ =	sfence.sel $0xFFFF  }
0xd4: {  	[dreg:$0x0] =	wrdreg $0xFFFFFFFF;
	(pc) =	sbr.abs _section_cstart, $3  }
0xd5: {  	[dreg:$0x1] =	wrdreg $0xFFFFFFFF  }
0xd6: {  	_ =	task.clear_ibuf [dreg:s22], $0x2FFFF;
	_ =	strace $0x9FFFFFFF  }
0xd7: {  	(tm) =	ssettm $0x7FFFFFFF  }
tec
execute0_lowered:
.L_overlay_start_1:
0x0: {  	(tag) =	ssettag $0x1  }
0x1: {  	s1 =	srdreg.scid  }
0x2: {  	s0 =	stileid.u32;
	s11 =	sand.u32 $0x1, s1  }
0x3: {  	s31 =	sshll.u32 s0, $0xA;
	s2 =	sshll.u32 s11, $0x9  }
0x4: {  	s5 =	rddreg [dreg:$0x0];
	s9 =	sor.u32 s2, s31  }
0x5: {  	s10 =	rddreg [dreg:$0x1];
	s2 =	simm.s32 $0x0;
	s3 =	sshrl.u32 s9, $0x3  }
0x6: {  	s4 =	simm.s32 $0x3;
	[smem:$0x7FF] =	sst s2;
	s3 =	sadd.s32 s3, s5  }
0x7: {  	s1 =	rddreg [dreg:$0x2];
	_ =	strace $0x8000004A;
	s3 =	sadd.s32 $0x61E00, s3  }
0x8: {  	[tilespmem:s2], [sflag:$0x3] =	stream.linear.gather [hbm4b:s3+s2], $0x200, $0x38;
	[tilespmem:$0x10200] =	vst v63  }
0x9: {  	_ =	swait.ge [sflag:s4], $0x200  }
0xa: {  	s6 =	simm.s32 $0x100;
	s7 =	simm.s32 $0x200;
	[sflag:s4] =	ssyncset.done $0x0  }
0xb: {  	s8 =	simm.s32 $0x1;
	s5 =	sadd.s32 $0x1600, s5;
	[sflag:s4] =	ssyncadd.s32 $0xFFFFFE00  }
0xc: {  	[tilespmem:s7], [sflag:$0x1] =	stream.indirect.gather [hbm4b:s5+s6], $0x80, s2, s6, $0xb8;
	[tilespmem:$0x10200] =	vst v63  }
0xd: {  	_ =	swait.ge [sflag:s8], $0x8000  }
0xe: {  	s13 =	ssub.s32 $0x2, s11;
	[sflag:s8] =	ssyncset.done $0x0  }
0xf: {  	s12 =	sshll.u32 s9, $0x4;
	s9 =	simm.s32 $0x8200;
	[sflag:s8] =	ssyncadd.s32 $0xFFFF8000  }
0x10: {  	[tilespmem:s9], [sflag:$0x1] =	stream.indirect.gather [hbm4b:s5+s6], $0x80, s6, s6, $0xb8;
	[tilespmem:$0x10200] =	vst v63  }
0x11: {  	s14 =	sshrl.u32 s13, $0x1;
	s10 =	sadd.s32 s10, s12  }
0x12: {  	[hbm4b:s10+s2] =	stream.linear.scatter [tilespmem:s7], [sflag:$0x2], $0x8000, $0x38;
	[tilespmem:$0x10200] =	vst v63  }
0x13: {  	s13 =	ssub.s32 s13, s14;
	_ =	swait.ge [sflag:s8], $0x8000  }
0x14: {  	s11 =	simm.s32 $0x2;
	s13 =	smax.u32 s13, $0x1;
	[sflag:s8] =	ssyncset.done $0x0  }
0x15: {  	s12 =	sadd.s32 $0x1000, s10;
	p0 =	sne.s32 s13, $0x1;
	[sflag:s8] =	ssyncadd.s32 $0xFFFF8000  }
0x16: {  	[hbm4b:s12+s2] =	stream.linear.scatter [tilespmem:s9], [sflag:$0x2], $0x8000, $0x38;
	[tilespmem:$0x10200] =	vst v63  }
.Ltmp0:
0x17: {  	_ =	swait.ge [sflag:s11], $0x8000;
	(pc) =	sbr.rel @!p0 .LBB2_2-.Ltmp0, $4  }
0x18: {  	[sflag:s11] =	ssyncset.done $0x0  }
0x19: {  	[sflag:s11] =	ssyncadd.s32 $0xFFFF8000  }
0x1a: {  	_ =	swait.ge [sflag:s11], $0x8000  }
0x1b: {  	s13 =	sadd.s32 $0xFFFFFFFF, s13;
	[sflag:s11] =	ssyncset.done $0x0  }
.LBB2_1:
0x1c: {  	p0 =	sne.s32 s13, $0x1;
	s13 =	sadd.s32 $0xFFFFFFFF, s13;
	[sflag:s11] =	ssyncadd.s32 $0xFFFF8000  }
0x1d: {  	[tilespmem:s2], [sflag:$0x3] =	stream.linear.gather [hbm4b:s3+s2], $0x200, $0x38;
	[tilespmem:$0x10200] =	vst v63  }
0x1e: {  	_ =	swait.ge [sflag:s4], $0x200  }
0x1f: {  	[sflag:s4] =	ssyncset.done $0x0  }
0x20: {  	[sflag:s4] =	ssyncadd.s32 $0xFFFFFE00  }
0x21: {  	[tilespmem:s7], [sflag:$0x1] =	stream.indirect.gather [hbm4b:s5+s6], $0x80, s2, s6, $0xb8;
	[tilespmem:$0x10200] =	vst v63  }
0x22: {  	_ =	swait.ge [sflag:s8], $0x8000  }
0x23: {  	[sflag:s8] =	ssyncset.done $0x0  }
0x24: {  	[sflag:s8] =	ssyncadd.s32 $0xFFFF8000  }
0x25: {  	[tilespmem:s9], [sflag:$0x1] =	stream.indirect.gather [hbm4b:s5+s6], $0x80, s6, s6, $0xb8;
	[tilespmem:$0x10200] =	vst v63  }
0x26: {  	_ = 	snop  }
0x27: {  	[hbm4b:s10+s2] =	stream.linear.scatter [tilespmem:s7], [sflag:$0x2], $0x8000, $0x38;
	[tilespmem:$0x10200] =	vst v63  }
0x28: {  	_ =	swait.ge [sflag:s8], $0x8000  }
0x29: {  	[sflag:s8] =	ssyncset.done $0x0  }
0x2a: {  	[sflag:s8] =	ssyncadd.s32 $0xFFFF8000  }
0x2b: {  	[hbm4b:s12+s2] =	stream.linear.scatter [tilespmem:s9], [sflag:$0x2], $0x8000, $0x38;
	[tilespmem:$0x10200] =	vst v63  }
.Ltmp1:
0x2c: {  	_ =	swait.ge [sflag:s11], $0x8000;
	(pc) =	sbr.rel @p0 .LBB2_1-.Ltmp1, $4  }
0x2d: {  	[sflag:s11] =	ssyncset.done $0x0  }
0x2e: {  	[sflag:s11] =	ssyncadd.s32 $0xFFFF8000  }
0x2f: {  	_ =	swait.ge [sflag:s11], $0x8000  }
0x30: {  	[sflag:s11] =	ssyncset.done $0x0  }
.LBB2_2:
0x31: {  	[sflag:s11] =	ssyncadd.s32 $0xFFFF8000  }
0x32: {  	_ =	sfence.sel $0x180000  }
0x33: {  	[bflag:$0x0] =	sbarrier.arrive $0xFFFF  }
0x34: {  	p0 =	sne.s32 s0, $0x0;
	_ =	strace $0x9000004A  }
0x35: {  	s0 =	sadd.s32 @!p0 $0x100000, s1;
	[bflag:$0x2] =	sbarrier.arrive $0xFFFF  }
0x36: {  	[sflag:s0] =	ssyncadd.tile.s32 @!p0 $0x1;
	_ =	shalt  }
.Lfunc_end2:
_tile_overlayer_lowered:
.L_overlay_start_2:
0x37: {  	(tag) =	ssettag $0x2  }
0x38: {  	s0 =	rddreg [dreg:$0x0];
	s2 =	stileid.u32  }
0x39: {  	s1 =	rddreg [dreg:$0x1];
	p0 =	sne.s32 s2, $0x0  }
0x3a: {  	s3 =	rddreg [dreg:$0x2];
	[bflag:$0x3] =	sbarrier.arrive $0xFFFF;
	s2 =	simm.s32 @!p0 $0x1C03  }
0x3b: {  	[timem:s3], [sflag:s2] =	dma.local @!p0 [hbm:s0], s1  }
0x3c: {  	s0 =	simm.s32 @!p0 $0x3  }
0x3d: {  	_ =	swait.ge @!p0 [sflag:s0], s1  }
0x3e: {  	s1 =	ssub.s32 @!p0 $0x0, s1;
	[sflag:s0] =	ssyncset.done @!p0 $0x0  }
0x3f: {  	[sflag:s0] =	ssyncadd.s32 @!p0 s1  }
0x40: {  	[bflag:$0x3] =	sbarrier.arrive $0xFFFF  }
0x41: {  	_ =	shalt  }

</sc_bundles>
